<compile_context>
chip_gen: v7x
topology: tpu7x:2x2x1
jax: 0.10.2.dev20260603
libtpu: 0.0.44.dev20260713+nightly
codegen_flags: <defaults>
</compile_context>

<pallas_src>
import functools

import jax
import jax.numpy as jnp
from jax import lax
from jax.experimental import pallas as pl
from jax.experimental.pallas import tpu as pltpu
from jax.experimental.pallas import tpu_sc as plsc

NC = 2
NS = 16
NW = NC * NS

B, S, D = 4, 4096, 1792
N = B * S
ROWS_PER_W = N // NW
CH = 8
NBUF = 8
LEAD = 2
NCHUNK = ROWS_PER_W // CH

_mesh = plsc.VectorSubcoreMesh(core_axis_name="c", subcore_axis_name="s")


@functools.partial(
    pl.kernel,
    mesh=_mesh,
    out_type=jax.ShapeDtypeStruct((N, D), jnp.float32),
    scratch_types=[
        pltpu.VMEM((NBUF, CH, D), jnp.float32),
        pltpu.SemaphoreType.DMA((NBUF,)),
        pltpu.SemaphoreType.DMA((NBUF,)),
    ],
)
def _sc_copy(x_hbm, out_hbm, buf, sem_in, sem_out):
    c = lax.axis_index("c")
    s = lax.axis_index("s")
    wid = s * NC + c
    base = wid * ROWS_PER_W

    def crow(k):
        return base + jnp.clip(k, 0, NCHUNK - 1) * CH

    for b in range(LEAD):
        pltpu.async_copy(
            x_hbm.at[pl.ds(crow(b), CH)], buf.at[b], sem_in.at[b])

    def outer(og, carry):
        for b in range(NBUF):
            k = og * NBUF + b
            pltpu.make_async_copy(
                x_hbm.at[pl.ds(crow(k), CH)], buf.at[b], sem_in.at[b]).wait()
            pltpu.async_copy(
                buf.at[b], out_hbm.at[pl.ds(crow(k), CH)], sem_out.at[b])
            bn = (b + LEAD) % NBUF
            kn = k + LEAD

            @pl.when(kn >= NBUF)
            def _wait_old_out():
                pltpu.make_async_copy(
                    buf.at[bn], out_hbm.at[pl.ds(crow(kn - NBUF), CH)],
                    sem_out.at[bn]).wait()

            @pl.when(kn < NCHUNK)
            def _start_next_in():
                pltpu.async_copy(
                    x_hbm.at[pl.ds(crow(kn), CH)], buf.at[bn], sem_in.at[bn])
        return carry

    lax.fori_loop(0, NCHUNK // NBUF, outer, 0)

    for kk in range(NCHUNK - NBUF + LEAD, NCHUNK):
        b = kk % NBUF
        pltpu.make_async_copy(
            buf.at[b], out_hbm.at[pl.ds(crow(kk), CH)], sem_out.at[b]).wait()


@jax.jit
def kernel(x, tags, table, gamma, beta):
    x2 = x.reshape(N, D)
    out = _sc_copy(x2)
    return out.reshape(B, S, D)

# --- scband reference (transcript-rebuilt; emitter-appended) ---
"""Pipeline reference for scband-query-embedding-84765474553882 (READ-ONLY COPY).

The authoritative reference and input builder live on the scoring server;
editing this copy changes nothing except your own understanding.
"""

import jax, jax.numpy as jnp
import numpy as np

B, S, D = 4, 4096, 1792
NUM_TAGS = 2
EPS = 1e-5


def setup_inputs(seed: int = 0) -> dict:
    key = jax.random.key(seed)
    k1, k2, k3 = jax.random.split(key, 3)
    x = jax.random.normal(k1, (B, S, D), dtype=jnp.float32)
    tags = jax.random.randint(k2, (B, S), 0, NUM_TAGS, dtype=jnp.int32)
    # learned params: embedding table (nn.Embedding(2, 1792) default init N(0,1)),
    # LayerNorm gamma=1, beta=0
    table = jax.random.normal(k3, (NUM_TAGS, D), dtype=jnp.float32)
    gamma = jnp.ones((D,), dtype=jnp.float32)
    beta = jnp.zeros((D,), dtype=jnp.float32)
    return {"x": x, "tags": tags, "table": table, "gamma": gamma, "beta": beta}


def reference(x, tags, table, gamma, beta):
    # query_embeddings = self.query_embedding(tags)
    query_embeddings = jnp.take(table, tags, axis=0)  # [B, S, D]
    # x += query_embeddings
    y = x + query_embeddings
    # x = self.layerNorm(x)
    mean = jnp.mean(y, axis=-1, keepdims=True)
    var = jnp.var(y, axis=-1, keepdims=True)
    normed = (y - mean) / jnp.sqrt(var + EPS)
    return normed * gamma + beta

if __name__ == "__main__":
    import jax
    _d = setup_inputs()
    print(jax.jit(kernel)(*tuple(_d.values())))

</pallas_src>

<mosaic_0001>
#map = affine_map<(d0, d1) -> (0, 0)>
module attributes {stable_mosaic.version = 14 : i64} {
  func.func @_sc_copy(%arg0: i32, %arg1: i32, %arg2: memref<16384x1792xf32, #tpu.memory_space<hbm>>, %arg3: memref<16384x1792xf32, #tpu.memory_space<hbm>>, %arg4: memref<8x8x1792xf32, #tpu.memory_space<vmem>>, %arg5: memref<8x!tpu.dma_semaphore, #tpu.memory_space<semaphore_mem>>, %arg6: memref<8x!tpu.dma_semaphore, #tpu.memory_space<semaphore_mem>>) attributes {dimension_semantics = [#tpu.dimension_semantics<core_parallel>, #tpu.dimension_semantics<subcore_parallel>], iteration_bounds = array<i64: 2, 16>, scalar_prefetch = 0 : i64, scratch_operands = 3 : i64, tpu.core_type = #tpu.core_type<sc_vector_subcore>, window_params = [{transform_indices = #map}, {transform_indices = #map}]} {
    %mul3A = arith.constant 2 : i32
    %mul3A_0 = arith.muli %arg1, %mul3A : i32
    %add3A = arith.addi %mul3A_0, %arg0 : i32
    %mul3A_1 = arith.constant 512 : i32
    %mul3A_2 = arith.muli %add3A, %mul3A_1 : i32
    %jit3A = arith.constant 0 : i32
    %jit3A_3 = arith.constant 0 : i32
    %jit3A_4 = arith.constant 63 : i32
    %max3A = arith.maxsi %jit3A_3, %jit3A : i32
    %min3A = arith.minsi %jit3A_4, %max3A : i32
    %mul3A_5 = arith.constant 8 : i32
    %mul3A_6 = arith.muli %min3A, %mul3A_5 : i32
    %add3A_7 = arith.addi %mul3A_2, %mul3A_6 : i32
    %dma_start3A = arith.constant 0 : i32
    %dma_start3A_8 = arith.constant 0 : i32
    %dma_start3A_9 = arith.constant 0 : i32
    %dma_start3A_10 = arith.constant 0 : i32
    %dma_start3A_11 = tpu.memref_slice %arg4[%dma_start3A, %dma_start3A_9, %dma_start3A_10] : memref<8x8x1792xf32, #tpu.memory_space<vmem>> -> memref<1x8x1792xf32, #tpu.memory_space<vmem>>
    %dma_start3A_12 = tpu.memref_squeeze %dma_start3A_11 : memref<1x8x1792xf32, #tpu.memory_space<vmem>> -> memref<8x1792xf32, #tpu.memory_space<vmem>>
    %dma_start3A_13 = arith.constant 0 : i32
    %dma_start3A_14 = tpu.memref_slice %arg2[%add3A_7, %dma_start3A_13] : memref<16384x1792xf32, #tpu.memory_space<hbm>> -> memref<8x1792xf32, #tpu.memory_space<hbm>>
    %dma_start3A_15 = tpu.memref_slice %arg5[%dma_start3A_8] : memref<8x!tpu.dma_semaphore, #tpu.memory_space<semaphore_mem>> -> memref<1x!tpu.dma_semaphore, #tpu.memory_space<semaphore_mem>>
    %dma_start3A_16 = tpu.memref_squeeze %dma_start3A_15 : memref<1x!tpu.dma_semaphore, #tpu.memory_space<semaphore_mem>> -> memref<!tpu.dma_semaphore, #tpu.memory_space<semaphore_mem>>
    %dma_start3A_17 = arith.constant 0 : i32
    %dma_start3A_18 = arith.constant 0 : i32
    %dma_start3A_19 = tpu.memref_slice %arg4[%dma_start3A, %dma_start3A_17, %dma_start3A_18] : memref<8x8x1792xf32, #tpu.memory_space<vmem>> -> memref<1x8x1792xf32, #tpu.memory_space<vmem>>
    %dma_start3A_20 = tpu.memref_squeeze %dma_start3A_19 : memref<1x8x1792xf32, #tpu.memory_space<vmem>> -> memref<8x1792xf32, #tpu.memory_space<vmem>>
    %dma_start3A_21 = arith.constant 0 : i32
    %dma_start3A_22 = tpu.memref_slice %arg2[%add3A_7, %dma_start3A_21] : memref<16384x1792xf32, #tpu.memory_space<hbm>> -> memref<8x1792xf32, #tpu.memory_space<hbm>>
    tpu.enqueue_dma source(%dma_start3A_22 : memref<8x1792xf32, #tpu.memory_space<hbm>>) target(%dma_start3A_20 : memref<8x1792xf32, #tpu.memory_space<vmem>>) target_semaphore(%dma_start3A_16 : memref<!tpu.dma_semaphore, #tpu.memory_space<semaphore_mem>>)
    %jit3A_23 = arith.constant 1 : i32
    %jit3A_24 = arith.constant 0 : i32
    %jit3A_25 = arith.constant 63 : i32
    %max3A_26 = arith.maxsi %jit3A_24, %jit3A_23 : i32
    %min3A_27 = arith.minsi %jit3A_25, %max3A_26 : i32
    %mul3A_28 = arith.constant 8 : i32
    %mul3A_29 = arith.muli %min3A_27, %mul3A_28 : i32
    %add3A_30 = arith.addi %mul3A_2, %mul3A_29 : i32
    %dma_start3A_31 = arith.constant 1 : i32
    %dma_start3A_32 = arith.constant 1 : i32
    %dma_start3A_33 = arith.constant 0 : i32
    %dma_start3A_34 = arith.constant 0 : i32
    %dma_start3A_35 = tpu.memref_slice %arg4[%dma_start3A_31, %dma_start3A_33, %dma_start3A_34] : memref<8x8x1792xf32, #tpu.memory_space<vmem>> -> memref<1x8x1792xf32, #tpu.memory_space<vmem>>
    %dma_start3A_36 = tpu.memref_squeeze %dma_start3A_35 : memref<1x8x1792xf32, #tpu.memory_space<vmem>> -> memref<8x1792xf32, #tpu.memory_space<vmem>>
    %dma_start3A_37 = arith.constant 0 : i32
    %dma_start3A_38 = tpu.memref_slice %arg2[%add3A_30, %dma_start3A_37] : memref<16384x1792xf32, #tpu.memory_space<hbm>> -> memref<8x1792xf32, #tpu.memory_space<hbm>>
    %dma_start3A_39 = tpu.memref_slice %arg5[%dma_start3A_32] : memref<8x!tpu.dma_semaphore, #tpu.memory_space<semaphore_mem>> -> memref<1x!tpu.dma_semaphore, #tpu.memory_space<semaphore_mem>>
    %dma_start3A_40 = tpu.memref_squeeze %dma_start3A_39 : memref<1x!tpu.dma_semaphore, #tpu.memory_space<semaphore_mem>> -> memref<!tpu.dma_semaphore, #tpu.memory_space<semaphore_mem>>
    %dma_start3A_41 = arith.constant 0 : i32
    %dma_start3A_42 = arith.constant 0 : i32
    %dma_start3A_43 = tpu.memref_slice %arg4[%dma_start3A_31, %dma_start3A_41, %dma_start3A_42] : memref<8x8x1792xf32, #tpu.memory_space<vmem>> -> memref<1x8x1792xf32, #tpu.memory_space<vmem>>
    %dma_start3A_44 = tpu.memref_squeeze %dma_start3A_43 : memref<1x8x1792xf32, #tpu.memory_space<vmem>> -> memref<8x1792xf32, #tpu.memory_space<vmem>>
    %dma_start3A_45 = arith.constant 0 : i32
    %dma_start3A_46 = tpu.memref_slice %arg2[%add3A_30, %dma_start3A_45] : memref<16384x1792xf32, #tpu.memory_space<hbm>> -> memref<8x1792xf32, #tpu.memory_space<hbm>>
    tpu.enqueue_dma source(%dma_start3A_46 : memref<8x1792xf32, #tpu.memory_space<hbm>>) target(%dma_start3A_44 : memref<8x1792xf32, #tpu.memory_space<vmem>>) target_semaphore(%dma_start3A_40 : memref<!tpu.dma_semaphore, #tpu.memory_space<semaphore_mem>>)
    %scan3A = arith.constant 0 : i32
    %scan3A_47 = arith.constant 0 : i32
    %scan3A_48 = arith.constant 8 : i32
    %scan3A_49 = arith.addi %scan3A_47, %scan3A_48 : i32
    %scan3A_50 = arith.constant 1 : i32
    scf.for %scan3A_195 = %scan3A_47 to %scan3A_49 step %scan3A_50  : i32 {
      %mul3A_196 = arith.constant 8 : i32
      %mul3A_197 = arith.muli %scan3A_195, %mul3A_196 : i32
      %add3A_198 = arith.constant 0 : i32
      %add3A_199 = arith.addi %mul3A_197, %add3A_198 : i32
      %jit3A_200 = arith.constant 0 : i32
      %jit3A_201 = arith.constant 63 : i32
      %max3A_202 = arith.maxsi %jit3A_200, %add3A_199 : i32
      %min3A_203 = arith.minsi %jit3A_201, %max3A_202 : i32
      %mul3A_204 = arith.constant 8 : i32
      %mul3A_205 = arith.muli %min3A_203, %mul3A_204 : i32
      %add3A_206 = arith.addi %mul3A_2, %mul3A_205 : i32
      %dma_wait3A_207 = arith.constant 0 : i32
      %dma_wait3A_208 = arith.constant 0 : i32
      %dma_wait3A_209 = arith.constant 0 : i32
      %dma_wait3A_210 = arith.constant 0 : i32
      %dma_wait3A_211 = tpu.memref_slice %arg4[%dma_wait3A_207, %dma_wait3A_209, %dma_wait3A_210] : memref<8x8x1792xf32, #tpu.memory_space<vmem>> -> memref<1x8x1792xf32, #tpu.memory_space<vmem>>
      %dma_wait3A_212 = tpu.memref_squeeze %dma_wait3A_211 : memref<1x8x1792xf32, #tpu.memory_space<vmem>> -> memref<8x1792xf32, #tpu.memory_space<vmem>>
      %dma_wait3A_213 = arith.constant 0 : i32
      %dma_wait3A_214 = tpu.memref_slice %arg2[%add3A_206, %dma_wait3A_213] : memref<16384x1792xf32, #tpu.memory_space<hbm>> -> memref<8x1792xf32, #tpu.memory_space<hbm>>
      %dma_wait3A_215 = tpu.memref_slice %arg5[%dma_wait3A_208] : memref<8x!tpu.dma_semaphore, #tpu.memory_space<semaphore_mem>> -> memref<1x!tpu.dma_semaphore, #tpu.memory_space<semaphore_mem>>
      %dma_wait3A_216 = tpu.memref_squeeze %dma_wait3A_215 : memref<1x!tpu.dma_semaphore, #tpu.memory_space<semaphore_mem>> -> memref<!tpu.dma_semaphore, #tpu.memory_space<semaphore_mem>>
      %dma_wait3A_217 = arith.constant 0 : i32
      %dma_wait3A_218 = arith.constant 0 : i32
      %dma_wait3A_219 = tpu.memref_slice %arg4[%dma_wait3A_207, %dma_wait3A_217, %dma_wait3A_218] : memref<8x8x1792xf32, #tpu.memory_space<vmem>> -> memref<1x8x1792xf32, #tpu.memory_space<vmem>>
      %dma_wait3A_220 = tpu.memref_squeeze %dma_wait3A_219 : memref<1x8x1792xf32, #tpu.memory_space<vmem>> -> memref<8x1792xf32, #tpu.memory_space<vmem>>
      %dma_wait3A_221 = arith.constant 0 : i32
      %dma_wait3A_222 = tpu.memref_slice %arg2[%add3A_206, %dma_wait3A_221] : memref<16384x1792xf32, #tpu.memory_space<hbm>> -> memref<8x1792xf32, #tpu.memory_space<hbm>>
      tpu.wait_dma2 semaphore(%dma_wait3A_216 : memref<!tpu.dma_semaphore, #tpu.memory_space<semaphore_mem>>) src(%dma_wait3A_222 : memref<8x1792xf32, #tpu.memory_space<hbm>>) dst(%dma_wait3A_220 : memref<8x1792xf32, #tpu.memory_space<vmem>>)
      %jit3A_223 = arith.constant 0 : i32
      %jit3A_224 = arith.constant 63 : i32
      %max3A_225 = arith.maxsi %jit3A_223, %add3A_199 : i32
      %min3A_226 = arith.minsi %jit3A_224, %max3A_225 : i32
      %mul3A_227 = arith.constant 8 : i32
      %mul3A_228 = arith.muli %min3A_226, %mul3A_227 : i32
      %add3A_229 = arith.addi %mul3A_2, %mul3A_228 : i32
      %dma_start3A_230 = arith.constant 0 : i32
      %dma_start3A_231 = arith.constant 0 : i32
      %dma_start3A_232 = arith.constant 0 : i32
      %dma_start3A_233 = arith.constant 0 : i32
      %dma_start3A_234 = tpu.memref_slice %arg4[%dma_start3A_230, %dma_start3A_232, %dma_start3A_233] : memref<8x8x1792xf32, #tpu.memory_space<vmem>> -> memref<1x8x1792xf32, #tpu.memory_space<vmem>>
      %dma_start3A_235 = tpu.memref_squeeze %dma_start3A_234 : memref<1x8x1792xf32, #tpu.memory_space<vmem>> -> memref<8x1792xf32, #tpu.memory_space<vmem>>
      %dma_start3A_236 = arith.constant 0 : i32
      %dma_start3A_237 = tpu.memref_slice %arg3[%add3A_229, %dma_start3A_236] : memref<16384x1792xf32, #tpu.memory_space<hbm>> -> memref<8x1792xf32, #tpu.memory_space<hbm>>
      %dma_start3A_238 = tpu.memref_slice %arg6[%dma_start3A_231] : memref<8x!tpu.dma_semaphore, #tpu.memory_space<semaphore_mem>> -> memref<1x!tpu.dma_semaphore, #tpu.memory_space<semaphore_mem>>
      %dma_start3A_239 = tpu.memref_squeeze %dma_start3A_238 : memref<1x!tpu.dma_semaphore, #tpu.memory_space<semaphore_mem>> -> memref<!tpu.dma_semaphore, #tpu.memory_space<semaphore_mem>>
      %dma_start3A_240 = arith.constant 0 : i32
      %dma_start3A_241 = tpu.memref_slice %arg3[%add3A_229, %dma_start3A_240] : memref<16384x1792xf32, #tpu.memory_space<hbm>> -> memref<8x1792xf32, #tpu.memory_space<hbm>>
      %dma_start3A_242 = arith.constant 0 : i32
      %dma_start3A_243 = arith.constant 0 : i32
      %dma_start3A_244 = tpu.memref_slice %arg4[%dma_start3A_230, %dma_start3A_242, %dma_start3A_243] : memref<8x8x1792xf32, #tpu.memory_space<vmem>> -> memref<1x8x1792xf32, #tpu.memory_space<vmem>>
      %dma_start3A_245 = tpu.memref_squeeze %dma_start3A_244 : memref<1x8x1792xf32, #tpu.memory_space<vmem>> -> memref<8x1792xf32, #tpu.memory_space<vmem>>
      tpu.enqueue_dma source(%dma_start3A_245 : memref<8x1792xf32, #tpu.memory_space<vmem>>) target(%dma_start3A_241 : memref<8x1792xf32, #tpu.memory_space<hbm>>) target_semaphore(%dma_start3A_239 : memref<!tpu.dma_semaphore, #tpu.memory_space<semaphore_mem>>)
      %add3A_246 = arith.constant 2 : i32
      %add3A_247 = arith.addi %add3A_199, %add3A_246 : i32
      %ge3A = arith.constant 8 : i32
      %ge3A_248 = arith.cmpi sge, %add3A_247, %ge3A : i32
      %convert_element_type3A = arith.extui %ge3A_248 : i1 to i32
      %cond3A = arith.constant 0 : i32
      %cond3A_249 = arith.cmpi ne, %convert_element_type3A, %cond3A : i32
      scf.if %cond3A_249 {
        %sub3A = arith.constant 8 : i32
        %sub3A_688 = arith.subi %add3A_247, %sub3A : i32
        %jit3A_689 = arith.constant 0 : i32
        %jit3A_690 = arith.constant 63 : i32
        %max3A_691 = arith.maxsi %jit3A_689, %sub3A_688 : i32
        %min3A_692 = arith.minsi %jit3A_690, %max3A_691 : i32
        %mul3A_693 = arith.constant 8 : i32
        %mul3A_694 = arith.muli %min3A_692, %mul3A_693 : i32
        %add3A_695 = arith.addi %mul3A_2, %mul3A_694 : i32
        %dma_wait3A_696 = arith.constant 2 : i32
        %dma_wait3A_697 = arith.constant 2 : i32
        %dma_wait3A_698 = arith.constant 0 : i32
        %dma_wait3A_699 = arith.constant 0 : i32
        %dma_wait3A_700 = tpu.memref_slice %arg4[%dma_wait3A_696, %dma_wait3A_698, %dma_wait3A_699] : memref<8x8x1792xf32, #tpu.memory_space<vmem>> -> memref<1x8x1792xf32, #tpu.memory_space<vmem>>
        %dma_wait3A_701 = tpu.memref_squeeze %dma_wait3A_700 : memref<1x8x1792xf32, #tpu.memory_space<vmem>> -> memref<8x1792xf32, #tpu.memory_space<vmem>>
        %dma_wait3A_702 = arith.constant 0 : i32
        %dma_wait3A_703 = tpu.memref_slice %arg3[%add3A_695, %dma_wait3A_702] : memref<16384x1792xf32, #tpu.memory_space<hbm>> -> memref<8x1792xf32, #tpu.memory_space<hbm>>
        %dma_wait3A_704 = tpu.memref_slice %arg6[%dma_wait3A_697] : memref<8x!tpu.dma_semaphore, #tpu.memory_space<semaphore_mem>> -> memref<1x!tpu.dma_semaphore, #tpu.memory_space<semaphore_mem>>
        %dma_wait3A_705 = tpu.memref_squeeze %dma_wait3A_704 : memref<1x!tpu.dma_semaphore, #tpu.memory_space<semaphore_mem>> -> memref<!tpu.dma_semaphore, #tpu.memory_space<semaphore_mem>>
        %dma_wait3A_706 = arith.constant 0 : i32
        %dma_wait3A_707 = tpu.memref_slice %arg3[%add3A_695, %dma_wait3A_706] : memref<16384x1792xf32, #tpu.memory_space<hbm>> -> memref<8x1792xf32, #tpu.memory_space<hbm>>
        %dma_wait3A_708 = arith.constant 0 : i32
        %dma_wait3A_709 = arith.constant 0 : i32
        %dma_wait3A_710 = tpu.memref_slice %arg4[%dma_wait3A_696, %dma_wait3A_708, %dma_wait3A_709] : memref<8x8x1792xf32, #tpu.memory_space<vmem>> -> memref<1x8x1792xf32, #tpu.memory_space<vmem>>
        %dma_wait3A_711 = tpu.memref_squeeze %dma_wait3A_710 : memref<1x8x1792xf32, #tpu.memory_space<vmem>> -> memref<8x1792xf32, #tpu.memory_space<vmem>>
        tpu.wait_dma2 semaphore(%dma_wait3A_705 : memref<!tpu.dma_semaphore, #tpu.memory_space<semaphore_mem>>) src(%dma_wait3A_711 : memref<8x1792xf32, #tpu.memory_space<vmem>>) dst(%dma_wait3A_707 : memref<8x1792xf32, #tpu.memory_space<hbm>>)
      } else {
      }
      %lt3A = arith.constant 64 : i32
      %lt3A_250 = arith.cmpi slt, %add3A_247, %lt3A : i32
      %convert_element_type3A_251 = arith.extui %lt3A_250 : i1 to i32
      %cond3A_252 = arith.constant 0 : i32
      %cond3A_253 = arith.cmpi ne, %convert_element_type3A_251, %cond3A_252 : i32
      scf.if %cond3A_253 {
        %jit3A_688 = arith.constant 0 : i32
        %jit3A_689 = arith.constant 63 : i32
        %max3A_690 = arith.maxsi %jit3A_688, %add3A_247 : i32
        %min3A_691 = arith.minsi %jit3A_689, %max3A_690 : i32
        %mul3A_692 = arith.constant 8 : i32
        %mul3A_693 = arith.muli %min3A_691, %mul3A_692 : i32
        %add3A_694 = arith.addi %mul3A_2, %mul3A_693 : i32
        %dma_start3A_695 = arith.constant 2 : i32
        %dma_start3A_696 = arith.constant 2 : i32
        %dma_start3A_697 = arith.constant 0 : i32
        %dma_start3A_698 = arith.constant 0 : i32
        %dma_start3A_699 = tpu.memref_slice %arg4[%dma_start3A_695, %dma_start3A_697, %dma_start3A_698] : memref<8x8x1792xf32, #tpu.memory_space<vmem>> -> memref<1x8x1792xf32, #tpu.memory_space<vmem>>
        %dma_start3A_700 = tpu.memref_squeeze %dma_start3A_699 : memref<1x8x1792xf32, #tpu.memory_space<vmem>> -> memref<8x1792xf32, #tpu.memory_space<vmem>>
        %dma_start3A_701 = arith.constant 0 : i32
        %dma_start3A_702 = tpu.memref_slice %arg2[%add3A_694, %dma_start3A_701] : memref<16384x1792xf32, #tpu.memory_space<hbm>> -> memref<8x1792xf32, #tpu.memory_space<hbm>>
        %dma_start3A_703 = tpu.memref_slice %arg5[%dma_start3A_696] : memref<8x!tpu.dma_semaphore, #tpu.memory_space<semaphore_mem>> -> memref<1x!tpu.dma_semaphore, #tpu.memory_space<semaphore_mem>>
        %dma_start3A_704 = tpu.memref_squeeze %dma_start3A_703 : memref<1x!tpu.dma_semaphore, #tpu.memory_space<semaphore_mem>> -> memref<!tpu.dma_semaphore, #tpu.memory_space<semaphore_mem>>
        %dma_start3A_705 = arith.constant 0 : i32
        %dma_start3A_706 = arith.constant 0 : i32
        %dma_start3A_707 = tpu.memref_slice %arg4[%dma_start3A_695, %dma_start3A_705, %dma_start3A_706] : memref<8x8x1792xf32, #tpu.memory_space<vmem>> -> memref<1x8x1792xf32, #tpu.memory_space<vmem>>
        %dma_start3A_708 = tpu.memref_squeeze %dma_start3A_707 : memref<1x8x1792xf32, #tpu.memory_space<vmem>> -> memref<8x1792xf32, #tpu.memory_space<vmem>>
        %dma_start3A_709 = arith.constant 0 : i32
        %dma_start3A_710 = tpu.memref_slice %arg2[%add3A_694, %dma_start3A_709] : memref<16384x1792xf32, #tpu.memory_space<hbm>> -> memref<8x1792xf32, #tpu.memory_space<hbm>>
        tpu.enqueue_dma source(%dma_start3A_710 : memref<8x1792xf32, #tpu.memory_space<hbm>>) target(%dma_start3A_708 : memref<8x1792xf32, #tpu.memory_space<vmem>>) target_semaphore(%dma_start3A_704 : memref<!tpu.dma_semaphore, #tpu.memory_space<semaphore_mem>>)
      } else {
      }
      %mul3A_254 = arith.constant 8 : i32
      %mul3A_255 = arith.muli %scan3A_195, %mul3A_254 : i32
      %add3A_256 = arith.constant 1 : i32
      %add3A_257 = arith.addi %mul3A_255, %add3A_256 : i32
      %jit3A_258 = arith.constant 0 : i32
      %jit3A_259 = arith.constant 63 : i32
      %max3A_260 = arith.maxsi %jit3A_258, %add3A_257 : i32
      %min3A_261 = arith.minsi %jit3A_259, %max3A_260 : i32
      %mul3A_262 = arith.constant 8 : i32
      %mul3A_263 = arith.muli %min3A_261, %mul3A_262 : i32
      %add3A_264 = arith.addi %mul3A_2, %mul3A_263 : i32
      %dma_wait3A_265 = arith.constant 1 : i32
      %dma_wait3A_266 = arith.constant 1 : i32
      %dma_wait3A_267 = arith.constant 0 : i32
      %dma_wait3A_268 = arith.constant 0 : i32
      %dma_wait3A_269 = tpu.memref_slice %arg4[%dma_wait3A_265, %dma_wait3A_267, %dma_wait3A_268] : memref<8x8x1792xf32, #tpu.memory_space<vmem>> -> memref<1x8x1792xf32, #tpu.memory_space<vmem>>
      %dma_wait3A_270 = tpu.memref_squeeze %dma_wait3A_269 : memref<1x8x1792xf32, #tpu.memory_space<vmem>> -> memref<8x1792xf32, #tpu.memory_space<vmem>>
      %dma_wait3A_271 = arith.constant 0 : i32
      %dma_wait3A_272 = tpu.memref_slice %arg2[%add3A_264, %dma_wait3A_271] : memref<16384x1792xf32, #tpu.memory_space<hbm>> -> memref<8x1792xf32, #tpu.memory_space<hbm>>
      %dma_wait3A_273 = tpu.memref_slice %arg5[%dma_wait3A_266] : memref<8x!tpu.dma_semaphore, #tpu.memory_space<semaphore_mem>> -> memref<1x!tpu.dma_semaphore, #tpu.memory_space<semaphore_mem>>
      %dma_wait3A_274 = tpu.memref_squeeze %dma_wait3A_273 : memref<1x!tpu.dma_semaphore, #tpu.memory_space<semaphore_mem>> -> memref<!tpu.dma_semaphore, #tpu.memory_space<semaphore_mem>>
      %dma_wait3A_275 = arith.constant 0 : i32
      %dma_wait3A_276 = arith.constant 0 : i32
      %dma_wait3A_277 = tpu.memref_slice %arg4[%dma_wait3A_265, %dma_wait3A_275, %dma_wait3A_276] : memref<8x8x1792xf32, #tpu.memory_space<vmem>> -> memref<1x8x1792xf32, #tpu.memory_space<vmem>>
      %dma_wait3A_278 = tpu.memref_squeeze %dma_wait3A_277 : memref<1x8x1792xf32, #tpu.memory_space<vmem>> -> memref<8x1792xf32, #tpu.memory_space<vmem>>
      %dma_wait3A_279 = arith.constant 0 : i32
      %dma_wait3A_280 = tpu.memref_slice %arg2[%add3A_264, %dma_wait3A_279] : memref<16384x1792xf32, #tpu.memory_space<hbm>> -> memref<8x1792xf32, #tpu.memory_space<hbm>>
      tpu.wait_dma2 semaphore(%dma_wait3A_274 : memref<!tpu.dma_semaphore, #tpu.memory_space<semaphore_mem>>) src(%dma_wait3A_280 : memref<8x1792xf32, #tpu.memory_space<hbm>>) dst(%dma_wait3A_278 : memref<8x1792xf32, #tpu.memory_space<vmem>>)
      %jit3A_281 = arith.constant 0 : i32
      %jit3A_282 = arith.constant 63 : i32
      %max3A_283 = arith.maxsi %jit3A_281, %add3A_257 : i32
      %min3A_284 = arith.minsi %jit3A_282, %max3A_283 : i32
      %mul3A_285 = arith.constant 8 : i32
      %mul3A_286 = arith.muli %min3A_284, %mul3A_285 : i32
      %add3A_287 = arith.addi %mul3A_2, %mul3A_286 : i32
      %dma_start3A_288 = arith.constant 1 : i32
      %dma_start3A_289 = arith.constant 1 : i32
      %dma_start3A_290 = arith.constant 0 : i32
      %dma_start3A_291 = arith.constant 0 : i32
      %dma_start3A_292 = tpu.memref_slice %arg4[%dma_start3A_288, %dma_start3A_290, %dma_start3A_291] : memref<8x8x1792xf32, #tpu.memory_space<vmem>> -> memref<1x8x1792xf32, #tpu.memory_space<vmem>>
      %dma_start3A_293 = tpu.memref_squeeze %dma_start3A_292 : memref<1x8x1792xf32, #tpu.memory_space<vmem>> -> memref<8x1792xf32, #tpu.memory_space<vmem>>
      %dma_start3A_294 = arith.constant 0 : i32
      %dma_start3A_295 = tpu.memref_slice %arg3[%add3A_287, %dma_start3A_294] : memref<16384x1792xf32, #tpu.memory_space<hbm>> -> memref<8x1792xf32, #tpu.memory_space<hbm>>
      %dma_start3A_296 = tpu.memref_slice %arg6[%dma_start3A_289] : memref<8x!tpu.dma_semaphore, #tpu.memory_space<semaphore_mem>> -> memref<1x!tpu.dma_semaphore, #tpu.memory_space<semaphore_mem>>
      %dma_start3A_297 = tpu.memref_squeeze %dma_start3A_296 : memref<1x!tpu.dma_semaphore, #tpu.memory_space<semaphore_mem>> -> memref<!tpu.dma_semaphore, #tpu.memory_space<semaphore_mem>>
      %dma_start3A_298 = arith.constant 0 : i32
      %dma_start3A_299 = tpu.memref_slice %arg3[%add3A_287, %dma_start3A_298] : memref<16384x1792xf32, #tpu.memory_space<hbm>> -> memref<8x1792xf32, #tpu.memory_space<hbm>>
      %dma_start3A_300 = arith.constant 0 : i32
      %dma_start3A_301 = arith.constant 0 : i32
      %dma_start3A_302 = tpu.memref_slice %arg4[%dma_start3A_288, %dma_start3A_300, %dma_start3A_301] : memref<8x8x1792xf32, #tpu.memory_space<vmem>> -> memref<1x8x1792xf32, #tpu.memory_space<vmem>>
      %dma_start3A_303 = tpu.memref_squeeze %dma_start3A_302 : memref<1x8x1792xf32, #tpu.memory_space<vmem>> -> memref<8x1792xf32, #tpu.memory_space<vmem>>
      tpu.enqueue_dma source(%dma_start3A_303 : memref<8x1792xf32, #tpu.memory_space<vmem>>) target(%dma_start3A_299 : memref<8x1792xf32, #tpu.memory_space<hbm>>) target_semaphore(%dma_start3A_297 : memref<!tpu.dma_semaphore, #tpu.memory_space<semaphore_mem>>)
      %add3A_304 = arith.constant 2 : i32
      %add3A_305 = arith.addi %add3A_257, %add3A_304 : i32
      %ge3A_306 = arith.constant 8 : i32
      %ge3A_307 = arith.cmpi sge, %add3A_305, %ge3A_306 : i32
      %convert_element_type3A_308 = arith.extui %ge3A_307 : i1 to i32
      %cond3A_309 = arith.constant 0 : i32
      %cond3A_310 = arith.cmpi ne, %convert_element_type3A_308, %cond3A_309 : i32
      scf.if %cond3A_310 {
        %sub3A = arith.constant 8 : i32
        %sub3A_688 = arith.subi %add3A_305, %sub3A : i32
        %jit3A_689 = arith.constant 0 : i32
        %jit3A_690 = arith.constant 63 : i32
        %max3A_691 = arith.maxsi %jit3A_689, %sub3A_688 : i32
        %min3A_692 = arith.minsi %jit3A_690, %max3A_691 : i32
        %mul3A_693 = arith.constant 8 : i32
        %mul3A_694 = arith.muli %min3A_692, %mul3A_693 : i32
        %add3A_695 = arith.addi %mul3A_2, %mul3A_694 : i32
        %dma_wait3A_696 = arith.constant 3 : i32
        %dma_wait3A_697 = arith.constant 3 : i32
        %dma_wait3A_698 = arith.constant 0 : i32
        %dma_wait3A_699 = arith.constant 0 : i32
        %dma_wait3A_700 = tpu.memref_slice %arg4[%dma_wait3A_696, %dma_wait3A_698, %dma_wait3A_699] : memref<8x8x1792xf32, #tpu.memory_space<vmem>> -> memref<1x8x1792xf32, #tpu.memory_space<vmem>>
        %dma_wait3A_701 = tpu.memref_squeeze %dma_wait3A_700 : memref<1x8x1792xf32, #tpu.memory_space<vmem>> -> memref<8x1792xf32, #tpu.memory_space<vmem>>
        %dma_wait3A_702 = arith.constant 0 : i32
        %dma_wait3A_703 = tpu.memref_slice %arg3[%add3A_695, %dma_wait3A_702] : memref<16384x1792xf32, #tpu.memory_space<hbm>> -> memref<8x1792xf32, #tpu.memory_space<hbm>>
        %dma_wait3A_704 = tpu.memref_slice %arg6[%dma_wait3A_697] : memref<8x!tpu.dma_semaphore, #tpu.memory_space<semaphore_mem>> -> memref<1x!tpu.dma_semaphore, #tpu.memory_space<semaphore_mem>>
        %dma_wait3A_705 = tpu.memref_squeeze %dma_wait3A_704 : memref<1x!tpu.dma_semaphore, #tpu.memory_space<semaphore_mem>> -> memref<!tpu.dma_semaphore, #tpu.memory_space<semaphore_mem>>
        %dma_wait3A_706 = arith.constant 0 : i32
        %dma_wait3A_707 = tpu.memref_slice %arg3[%add3A_695, %dma_wait3A_706] : memref<16384x1792xf32, #tpu.memory_space<hbm>> -> memref<8x1792xf32, #tpu.memory_space<hbm>>
        %dma_wait3A_708 = arith.constant 0 : i32
        %dma_wait3A_709 = arith.constant 0 : i32
        %dma_wait3A_710 = tpu.memref_slice %arg4[%dma_wait3A_696, %dma_wait3A_708, %dma_wait3A_709] : memref<8x8x1792xf32, #tpu.memory_space<vmem>> -> memref<1x8x1792xf32, #tpu.memory_space<vmem>>
        %dma_wait3A_711 = tpu.memref_squeeze %dma_wait3A_710 : memref<1x8x1792xf32, #tpu.memory_space<vmem>> -> memref<8x1792xf32, #tpu.memory_space<vmem>>
        tpu.wait_dma2 semaphore(%dma_wait3A_705 : memref<!tpu.dma_semaphore, #tpu.memory_space<semaphore_mem>>) src(%dma_wait3A_711 : memref<8x1792xf32, #tpu.memory_space<vmem>>) dst(%dma_wait3A_707 : memref<8x1792xf32, #tpu.memory_space<hbm>>)
      } else {
      }
      %lt3A_311 = arith.constant 64 : i32
      %lt3A_312 = arith.cmpi slt, %add3A_305, %lt3A_311 : i32
      %convert_element_type3A_313 = arith.extui %lt3A_312 : i1 to i32
      %cond3A_314 = arith.constant 0 : i32
      %cond3A_315 = arith.cmpi ne, %convert_element_type3A_313, %cond3A_314 : i32
      scf.if %cond3A_315 {
        %jit3A_688 = arith.constant 0 : i32
        %jit3A_689 = arith.constant 63 : i32
        %max3A_690 = arith.maxsi %jit3A_688, %add3A_305 : i32
        %min3A_691 = arith.minsi %jit3A_689, %max3A_690 : i32
        %mul3A_692 = arith.constant 8 : i32
        %mul3A_693 = arith.muli %min3A_691, %mul3A_692 : i32
        %add3A_694 = arith.addi %mul3A_2, %mul3A_693 : i32
        %dma_start3A_695 = arith.constant 3 : i32
        %dma_start3A_696 = arith.constant 3 : i32
        %dma_start3A_697 = arith.constant 0 : i32
        %dma_start3A_698 = arith.constant 0 : i32
        %dma_start3A_699 = tpu.memref_slice %arg4[%dma_start3A_695, %dma_start3A_697, %dma_start3A_698] : memref<8x8x1792xf32, #tpu.memory_space<vmem>> -> memref<1x8x1792xf32, #tpu.memory_space<vmem>>
        %dma_start3A_700 = tpu.memref_squeeze %dma_start3A_699 : memref<1x8x1792xf32, #tpu.memory_space<vmem>> -> memref<8x1792xf32, #tpu.memory_space<vmem>>
        %dma_start3A_701 = arith.constant 0 : i32
        %dma_start3A_702 = tpu.memref_slice %arg2[%add3A_694, %dma_start3A_701] : memref<16384x1792xf32, #tpu.memory_space<hbm>> -> memref<8x1792xf32, #tpu.memory_space<hbm>>
        %dma_start3A_703 = tpu.memref_slice %arg5[%dma_start3A_696] : memref<8x!tpu.dma_semaphore, #tpu.memory_space<semaphore_mem>> -> memref<1x!tpu.dma_semaphore, #tpu.memory_space<semaphore_mem>>
        %dma_start3A_704 = tpu.memref_squeeze %dma_start3A_703 : memref<1x!tpu.dma_semaphore, #tpu.memory_space<semaphore_mem>> -> memref<!tpu.dma_semaphore, #tpu.memory_space<semaphore_mem>>
        %dma_start3A_705 = arith.constant 0 : i32
        %dma_start3A_706 = arith.constant 0 : i32
        %dma_start3A_707 = tpu.memref_slice %arg4[%dma_start3A_695, %dma_start3A_705, %dma_start3A_706] : memref<8x8x1792xf32, #tpu.memory_space<vmem>> -> memref<1x8x1792xf32, #tpu.memory_space<vmem>>
        %dma_start3A_708 = tpu.memref_squeeze %dma_start3A_707 : memref<1x8x1792xf32, #tpu.memory_space<vmem>> -> memref<8x1792xf32, #tpu.memory_space<vmem>>
        %dma_start3A_709 = arith.constant 0 : i32
        %dma_start3A_710 = tpu.memref_slice %arg2[%add3A_694, %dma_start3A_709] : memref<16384x1792xf32, #tpu.memory_space<hbm>> -> memref<8x1792xf32, #tpu.memory_space<hbm>>
        tpu.enqueue_dma source(%dma_start3A_710 : memref<8x1792xf32, #tpu.memory_space<hbm>>) target(%dma_start3A_708 : memref<8x1792xf32, #tpu.memory_space<vmem>>) target_semaphore(%dma_start3A_704 : memref<!tpu.dma_semaphore, #tpu.memory_space<semaphore_mem>>)
      } else {
      }
      %mul3A_316 = arith.constant 8 : i32
      %mul3A_317 = arith.muli %scan3A_195, %mul3A_316 : i32
      %add3A_318 = arith.constant 2 : i32
      %add3A_319 = arith.addi %mul3A_317, %add3A_318 : i32
      %jit3A_320 = arith.constant 0 : i32
      %jit3A_321 = arith.constant 63 : i32
      %max3A_322 = arith.maxsi %jit3A_320, %add3A_319 : i32
      %min3A_323 = arith.minsi %jit3A_321, %max3A_322 : i32
      %mul3A_324 = arith.constant 8 : i32
      %mul3A_325 = arith.muli %min3A_323, %mul3A_324 : i32
      %add3A_326 = arith.addi %mul3A_2, %mul3A_325 : i32
      %dma_wait3A_327 = arith.constant 2 : i32
      %dma_wait3A_328 = arith.constant 2 : i32
      %dma_wait3A_329 = arith.constant 0 : i32
      %dma_wait3A_330 = arith.constant 0 : i32
      %dma_wait3A_331 = tpu.memref_slice %arg4[%dma_wait3A_327, %dma_wait3A_329, %dma_wait3A_330] : memref<8x8x1792xf32, #tpu.memory_space<vmem>> -> memref<1x8x1792xf32, #tpu.memory_space<vmem>>
      %dma_wait3A_332 = tpu.memref_squeeze %dma_wait3A_331 : memref<1x8x1792xf32, #tpu.memory_space<vmem>> -> memref<8x1792xf32, #tpu.memory_space<vmem>>
      %dma_wait3A_333 = arith.constant 0 : i32
      %dma_wait3A_334 = tpu.memref_slice %arg2[%add3A_326, %dma_wait3A_333] : memref<16384x1792xf32, #tpu.memory_space<hbm>> -> memref<8x1792xf32, #tpu.memory_space<hbm>>
      %dma_wait3A_335 = tpu.memref_slice %arg5[%dma_wait3A_328] : memref<8x!tpu.dma_semaphore, #tpu.memory_space<semaphore_mem>> -> memref<1x!tpu.dma_semaphore, #tpu.memory_space<semaphore_mem>>
      %dma_wait3A_336 = tpu.memref_squeeze %dma_wait3A_335 : memref<1x!tpu.dma_semaphore, #tpu.memory_space<semaphore_mem>> -> memref<!tpu.dma_semaphore, #tpu.memory_space<semaphore_mem>>
      %dma_wait3A_337 = arith.constant 0 : i32
      %dma_wait3A_338 = arith.constant 0 : i32
      %dma_wait3A_339 = tpu.memref_slice %arg4[%dma_wait3A_327, %dma_wait3A_337, %dma_wait3A_338] : memref<8x8x1792xf32, #tpu.memory_space<vmem>> -> memref<1x8x1792xf32, #tpu.memory_space<vmem>>
      %dma_wait3A_340 = tpu.memref_squeeze %dma_wait3A_339 : memref<1x8x1792xf32, #tpu.memory_space<vmem>> -> memref<8x1792xf32, #tpu.memory_space<vmem>>
      %dma_wait3A_341 = arith.constant 0 : i32
      %dma_wait3A_342 = tpu.memref_slice %arg2[%add3A_326, %dma_wait3A_341] : memref<16384x1792xf32, #tpu.memory_space<hbm>> -> memref<8x1792xf32, #tpu.memory_space<hbm>>
      tpu.wait_dma2 semaphore(%dma_wait3A_336 : memref<!tpu.dma_semaphore, #tpu.memory_space<semaphore_mem>>) src(%dma_wait3A_342 : memref<8x1792xf32, #tpu.memory_space<hbm>>) dst(%dma_wait3A_340 : memref<8x1792xf32, #tpu.memory_space<vmem>>)
      %jit3A_343 = arith.constant 0 : i32
      %jit3A_344 = arith.constant 63 : i32
      %max3A_345 = arith.maxsi %jit3A_343, %add3A_319 : i32
      %min3A_346 = arith.minsi %jit3A_344, %max3A_345 : i32
      %mul3A_347 = arith.constant 8 : i32
      %mul3A_348 = arith.muli %min3A_346, %mul3A_347 : i32
      %add3A_349 = arith.addi %mul3A_2, %mul3A_348 : i32
      %dma_start3A_350 = arith.constant 2 : i32
      %dma_start3A_351 = arith.constant 2 : i32
      %dma_start3A_352 = arith.constant 0 : i32
      %dma_start3A_353 = arith.constant 0 : i32
      %dma_start3A_354 = tpu.memref_slice %arg4[%dma_start3A_350, %dma_start3A_352, %dma_start3A_353] : memref<8x8x1792xf32, #tpu.memory_space<vmem>> -> memref<1x8x1792xf32, #tpu.memory_space<vmem>>
      %dma_start3A_355 = tpu.memref_squeeze %dma_start3A_354 : memref<1x8x1792xf32, #tpu.memory_space<vmem>> -> memref<8x1792xf32, #tpu.memory_space<vmem>>
      %dma_start3A_356 = arith.constant 0 : i32
      %dma_start3A_357 = tpu.memref_slice %arg3[%add3A_349, %dma_start3A_356] : memref<16384x1792xf32, #tpu.memory_space<hbm>> -> memref<8x1792xf32, #tpu.memory_space<hbm>>
      %dma_start3A_358 = tpu.memref_slice %arg6[%dma_start3A_351] : memref<8x!tpu.dma_semaphore, #tpu.memory_space<semaphore_mem>> -> memref<1x!tpu.dma_semaphore, #tpu.memory_space<semaphore_mem>>
      %dma_start3A_359 = tpu.memref_squeeze %dma_start3A_358 : memref<1x!tpu.dma_semaphore, #tpu.memory_space<semaphore_mem>> -> memref<!tpu.dma_semaphore, #tpu.memory_space<semaphore_mem>>
      %dma_start3A_360 = arith.constant 0 : i32
      %dma_start3A_361 = tpu.memref_slice %arg3[%add3A_349, %dma_start3A_360] : memref<16384x1792xf32, #tpu.memory_space<hbm>> -> memref<8x1792xf32, #tpu.memory_space<hbm>>
      %dma_start3A_362 = arith.constant 0 : i32
      %dma_start3A_363 = arith.constant 0 : i32
      %dma_start3A_364 = tpu.memref_slice %arg4[%dma_start3A_350, %dma_start3A_362, %dma_start3A_363] : memref<8x8x1792xf32, #tpu.memory_space<vmem>> -> memref<1x8x1792xf32, #tpu.memory_space<vmem>>
      %dma_start3A_365 = tpu.memref_squeeze %dma_start3A_364 : memref<1x8x1792xf32, #tpu.memory_space<vmem>> -> memref<8x1792xf32, #tpu.memory_space<vmem>>
      tpu.enqueue_dma source(%dma_start3A_365 : memref<8x1792xf32, #tpu.memory_space<vmem>>) target(%dma_start3A_361 : memref<8x1792xf32, #tpu.memory_space<hbm>>) target_semaphore(%dma_start3A_359 : memref<!tpu.dma_semaphore, #tpu.memory_space<semaphore_mem>>)
      %add3A_366 = arith.constant 2 : i32
      %add3A_367 = arith.addi %add3A_319, %add3A_366 : i32
      %ge3A_368 = arith.constant 8 : i32
      %ge3A_369 = arith.cmpi sge, %add3A_367, %ge3A_368 : i32
      %convert_element_type3A_370 = arith.extui %ge3A_369 : i1 to i32
      %cond3A_371 = arith.constant 0 : i32
      %cond3A_372 = arith.cmpi ne, %convert_element_type3A_370, %cond3A_371 : i32
      scf.if %cond3A_372 {
        %sub3A = arith.constant 8 : i32
        %sub3A_688 = arith.subi %add3A_367, %sub3A : i32
        %jit3A_689 = arith.constant 0 : i32
        %jit3A_690 = arith.constant 63 : i32
        %max3A_691 = arith.maxsi %jit3A_689, %sub3A_688 : i32
        %min3A_692 = arith.minsi %jit3A_690, %max3A_691 : i32
        %mul3A_693 = arith.constant 8 : i32
        %mul3A_694 = arith.muli %min3A_692, %mul3A_693 : i32
        %add3A_695 = arith.addi %mul3A_2, %mul3A_694 : i32
        %dma_wait3A_696 = arith.constant 4 : i32
        %dma_wait3A_697 = arith.constant 4 : i32
        %dma_wait3A_698 = arith.constant 0 : i32
        %dma_wait3A_699 = arith.constant 0 : i32
        %dma_wait3A_700 = tpu.memref_slice %arg4[%dma_wait3A_696, %dma_wait3A_698, %dma_wait3A_699] : memref<8x8x1792xf32, #tpu.memory_space<vmem>> -> memref<1x8x1792xf32, #tpu.memory_space<vmem>>
        %dma_wait3A_701 = tpu.memref_squeeze %dma_wait3A_700 : memref<1x8x1792xf32, #tpu.memory_space<vmem>> -> memref<8x1792xf32, #tpu.memory_space<vmem>>
        %dma_wait3A_702 = arith.constant 0 : i32
        %dma_wait3A_703 = tpu.memref_slice %arg3[%add3A_695, %dma_wait3A_702] : memref<16384x1792xf32, #tpu.memory_space<hbm>> -> memref<8x1792xf32, #tpu.memory_space<hbm>>
        %dma_wait3A_704 = tpu.memref_slice %arg6[%dma_wait3A_697] : memref<8x!tpu.dma_semaphore, #tpu.memory_space<semaphore_mem>> -> memref<1x!tpu.dma_semaphore, #tpu.memory_space<semaphore_mem>>
        %dma_wait3A_705 = tpu.memref_squeeze %dma_wait3A_704 : memref<1x!tpu.dma_semaphore, #tpu.memory_space<semaphore_mem>> -> memref<!tpu.dma_semaphore, #tpu.memory_space<semaphore_mem>>
        %dma_wait3A_706 = arith.constant 0 : i32
        %dma_wait3A_707 = tpu.memref_slice %arg3[%add3A_695, %dma_wait3A_706] : memref<16384x1792xf32, #tpu.memory_space<hbm>> -> memref<8x1792xf32, #tpu.memory_space<hbm>>
        %dma_wait3A_708 = arith.constant 0 : i32
        %dma_wait3A_709 = arith.constant 0 : i32
        %dma_wait3A_710 = tpu.memref_slice %arg4[%dma_wait3A_696, %dma_wait3A_708, %dma_wait3A_709] : memref<8x8x1792xf32, #tpu.memory_space<vmem>> -> memref<1x8x1792xf32, #tpu.memory_space<vmem>>
        %dma_wait3A_711 = tpu.memref_squeeze %dma_wait3A_710 : memref<1x8x1792xf32, #tpu.memory_space<vmem>> -> memref<8x1792xf32, #tpu.memory_space<vmem>>
        tpu.wait_dma2 semaphore(%dma_wait3A_705 : memref<!tpu.dma_semaphore, #tpu.memory_space<semaphore_mem>>) src(%dma_wait3A_711 : memref<8x1792xf32, #tpu.memory_space<vmem>>) dst(%dma_wait3A_707 : memref<8x1792xf32, #tpu.memory_space<hbm>>)
      } else {
      }
      %lt3A_373 = arith.constant 64 : i32
      %lt3A_374 = arith.cmpi slt, %add3A_367, %lt3A_373 : i32
      %convert_element_type3A_375 = arith.extui %lt3A_374 : i1 to i32
      %cond3A_376 = arith.constant 0 : i32
      %cond3A_377 = arith.cmpi ne, %convert_element_type3A_375, %cond3A_376 : i32
      scf.if %cond3A_377 {
        %jit3A_688 = arith.constant 0 : i32
        %jit3A_689 = arith.constant 63 : i32
        %max3A_690 = arith.maxsi %jit3A_688, %add3A_367 : i32
        %min3A_691 = arith.minsi %jit3A_689, %max3A_690 : i32
        %mul3A_692 = arith.constant 8 : i32
        %mul3A_693 = arith.muli %min3A_691, %mul3A_692 : i32
        %add3A_694 = arith.addi %mul3A_2, %mul3A_693 : i32
        %dma_start3A_695 = arith.constant 4 : i32
        %dma_start3A_696 = arith.constant 4 : i32
        %dma_start3A_697 = arith.constant 0 : i32
        %dma_start3A_698 = arith.constant 0 : i32
        %dma_start3A_699 = tpu.memref_slice %arg4[%dma_start3A_695, %dma_start3A_697, %dma_start3A_698] : memref<8x8x1792xf32, #tpu.memory_space<vmem>> -> memref<1x8x1792xf32, #tpu.memory_space<vmem>>
        %dma_start3A_700 = tpu.memref_squeeze %dma_start3A_699 : memref<1x8x1792xf32, #tpu.memory_space<vmem>> -> memref<8x1792xf32, #tpu.memory_space<vmem>>
        %dma_start3A_701 = arith.constant 0 : i32
        %dma_start3A_702 = tpu.memref_slice %arg2[%add3A_694, %dma_start3A_701] : memref<16384x1792xf32, #tpu.memory_space<hbm>> -> memref<8x1792xf32, #tpu.memory_space<hbm>>
        %dma_start3A_703 = tpu.memref_slice %arg5[%dma_start3A_696] : memref<8x!tpu.dma_semaphore, #tpu.memory_space<semaphore_mem>> -> memref<1x!tpu.dma_semaphore, #tpu.memory_space<semaphore_mem>>
        %dma_start3A_704 = tpu.memref_squeeze %dma_start3A_703 : memref<1x!tpu.dma_semaphore, #tpu.memory_space<semaphore_mem>> -> memref<!tpu.dma_semaphore, #tpu.memory_space<semaphore_mem>>
        %dma_start3A_705 = arith.constant 0 : i32
        %dma_start3A_706 = arith.constant 0 : i32
        %dma_start3A_707 = tpu.memref_slice %arg4[%dma_start3A_695, %dma_start3A_705, %dma_start3A_706] : memref<8x8x1792xf32, #tpu.memory_space<vmem>> -> memref<1x8x1792xf32, #tpu.memory_space<vmem>>
        %dma_start3A_708 = tpu.memref_squeeze %dma_start3A_707 : memref<1x8x1792xf32, #tpu.memory_space<vmem>> -> memref<8x1792xf32, #tpu.memory_space<vmem>>
        %dma_start3A_709 = arith.constant 0 : i32
        %dma_start3A_710 = tpu.memref_slice %arg2[%add3A_694, %dma_start3A_709] : memref<16384x1792xf32, #tpu.memory_space<hbm>> -> memref<8x1792xf32, #tpu.memory_space<hbm>>
        tpu.enqueue_dma source(%dma_start3A_710 : memref<8x1792xf32, #tpu.memory_space<hbm>>) target(%dma_start3A_708 : memref<8x1792xf32, #tpu.memory_space<vmem>>) target_semaphore(%dma_start3A_704 : memref<!tpu.dma_semaphore, #tpu.memory_space<semaphore_mem>>)
      } else {
      }
      %mul3A_378 = arith.constant 8 : i32
      %mul3A_379 = arith.muli %scan3A_195, %mul3A_378 : i32
      %add3A_380 = arith.constant 3 : i32
      %add3A_381 = arith.addi %mul3A_379, %add3A_380 : i32
      %jit3A_382 = arith.constant 0 : i32
      %jit3A_383 = arith.constant 63 : i32
      %max3A_384 = arith.maxsi %jit3A_382, %add3A_381 : i32
      %min3A_385 = arith.minsi %jit3A_383, %max3A_384 : i32
      %mul3A_386 = arith.constant 8 : i32
      %mul3A_387 = arith.muli %min3A_385, %mul3A_386 : i32
      %add3A_388 = arith.addi %mul3A_2, %mul3A_387 : i32
      %dma_wait3A_389 = arith.constant 3 : i32
      %dma_wait3A_390 = arith.constant 3 : i32
      %dma_wait3A_391 = arith.constant 0 : i32
      %dma_wait3A_392 = arith.constant 0 : i32
      %dma_wait3A_393 = tpu.memref_slice %arg4[%dma_wait3A_389, %dma_wait3A_391, %dma_wait3A_392] : memref<8x8x1792xf32, #tpu.memory_space<vmem>> -> memref<1x8x1792xf32, #tpu.memory_space<vmem>>
      %dma_wait3A_394 = tpu.memref_squeeze %dma_wait3A_393 : memref<1x8x1792xf32, #tpu.memory_space<vmem>> -> memref<8x1792xf32, #tpu.memory_space<vmem>>
      %dma_wait3A_395 = arith.constant 0 : i32
      %dma_wait3A_396 = tpu.memref_slice %arg2[%add3A_388, %dma_wait3A_395] : memref<16384x1792xf32, #tpu.memory_space<hbm>> -> memref<8x1792xf32, #tpu.memory_space<hbm>>
      %dma_wait3A_397 = tpu.memref_slice %arg5[%dma_wait3A_390] : memref<8x!tpu.dma_semaphore, #tpu.memory_space<semaphore_mem>> -> memref<1x!tpu.dma_semaphore, #tpu.memory_space<semaphore_mem>>
      %dma_wait3A_398 = tpu.memref_squeeze %dma_wait3A_397 : memref<1x!tpu.dma_semaphore, #tpu.memory_space<semaphore_mem>> -> memref<!tpu.dma_semaphore, #tpu.memory_space<semaphore_mem>>
      %dma_wait3A_399 = arith.constant 0 : i32
      %dma_wait3A_400 = arith.constant 0 : i32
      %dma_wait3A_401 = tpu.memref_slice %arg4[%dma_wait3A_389, %dma_wait3A_399, %dma_wait3A_400] : memref<8x8x1792xf32, #tpu.memory_space<vmem>> -> memref<1x8x1792xf32, #tpu.memory_space<vmem>>
      %dma_wait3A_402 = tpu.memref_squeeze %dma_wait3A_401 : memref<1x8x1792xf32, #tpu.memory_space<vmem>> -> memref<8x1792xf32, #tpu.memory_space<vmem>>
      %dma_wait3A_403 = arith.constant 0 : i32
      %dma_wait3A_404 = tpu.memref_slice %arg2[%add3A_388, %dma_wait3A_403] : memref<16384x1792xf32, #tpu.memory_space<hbm>> -> memref<8x1792xf32, #tpu.memory_space<hbm>>
      tpu.wait_dma2 semaphore(%dma_wait3A_398 : memref<!tpu.dma_semaphore, #tpu.memory_space<semaphore_mem>>) src(%dma_wait3A_404 : memref<8x1792xf32, #tpu.memory_space<hbm>>) dst(%dma_wait3A_402 : memref<8x1792xf32, #tpu.memory_space<vmem>>)
      %jit3A_405 = arith.constant 0 : i32
      %jit3A_406 = arith.constant 63 : i32
      %max3A_407 = arith.maxsi %jit3A_405, %add3A_381 : i32
      %min3A_408 = arith.minsi %jit3A_406, %max3A_407 : i32
      %mul3A_409 = arith.constant 8 : i32
      %mul3A_410 = arith.muli %min3A_408, %mul3A_409 : i32
      %add3A_411 = arith.addi %mul3A_2, %mul3A_410 : i32
      %dma_start3A_412 = arith.constant 3 : i32
      %dma_start3A_413 = arith.constant 3 : i32
      %dma_start3A_414 = arith.constant 0 : i32
      %dma_start3A_415 = arith.constant 0 : i32
      %dma_start3A_416 = tpu.memref_slice %arg4[%dma_start3A_412, %dma_start3A_414, %dma_start3A_415] : memref<8x8x1792xf32, #tpu.memory_space<vmem>> -> memref<1x8x1792xf32, #tpu.memory_space<vmem>>
      %dma_start3A_417 = tpu.memref_squeeze %dma_start3A_416 : memref<1x8x1792xf32, #tpu.memory_space<vmem>> -> memref<8x1792xf32, #tpu.memory_space<vmem>>
      %dma_start3A_418 = arith.constant 0 : i32
      %dma_start3A_419 = tpu.memref_slice %arg3[%add3A_411, %dma_start3A_418] : memref<16384x1792xf32, #tpu.memory_space<hbm>> -> memref<8x1792xf32, #tpu.memory_space<hbm>>
      %dma_start3A_420 = tpu.memref_slice %arg6[%dma_start3A_413] : memref<8x!tpu.dma_semaphore, #tpu.memory_space<semaphore_mem>> -> memref<1x!tpu.dma_semaphore, #tpu.memory_space<semaphore_mem>>
      %dma_start3A_421 = tpu.memref_squeeze %dma_start3A_420 : memref<1x!tpu.dma_semaphore, #tpu.memory_space<semaphore_mem>> -> memref<!tpu.dma_semaphore, #tpu.memory_space<semaphore_mem>>
      %dma_start3A_422 = arith.constant 0 : i32
      %dma_start3A_423 = tpu.memref_slice %arg3[%add3A_411, %dma_start3A_422] : memref<16384x1792xf32, #tpu.memory_space<hbm>> -> memref<8x1792xf32, #tpu.memory_space<hbm>>
      %dma_start3A_424 = arith.constant 0 : i32
      %dma_start3A_425 = arith.constant 0 : i32
      %dma_start3A_426 = tpu.memref_slice %arg4[%dma_start3A_412, %dma_start3A_424, %dma_start3A_425] : memref<8x8x1792xf32, #tpu.memory_space<vmem>> -> memref<1x8x1792xf32, #tpu.memory_space<vmem>>
      %dma_start3A_427 = tpu.memref_squeeze %dma_start3A_426 : memref<1x8x1792xf32, #tpu.memory_space<vmem>> -> memref<8x1792xf32, #tpu.memory_space<vmem>>
      tpu.enqueue_dma source(%dma_start3A_427 : memref<8x1792xf32, #tpu.memory_space<vmem>>) target(%dma_start3A_423 : memref<8x1792xf32, #tpu.memory_space<hbm>>) target_semaphore(%dma_start3A_421 : memref<!tpu.dma_semaphore, #tpu.memory_space<semaphore_mem>>)
      %add3A_428 = arith.constant 2 : i32
      %add3A_429 = arith.addi %add3A_381, %add3A_428 : i32
      %ge3A_430 = arith.constant 8 : i32
      %ge3A_431 = arith.cmpi sge, %add3A_429, %ge3A_430 : i32
      %convert_element_type3A_432 = arith.extui %ge3A_431 : i1 to i32
      %cond3A_433 = arith.constant 0 : i32
      %cond3A_434 = arith.cmpi ne, %convert_element_type3A_432, %cond3A_433 : i32
      scf.if %cond3A_434 {
        %sub3A = arith.constant 8 : i32
        %sub3A_688 = arith.subi %add3A_429, %sub3A : i32
        %jit3A_689 = arith.constant 0 : i32
        %jit3A_690 = arith.constant 63 : i32
        %max3A_691 = arith.maxsi %jit3A_689, %sub3A_688 : i32
        %min3A_692 = arith.minsi %jit3A_690, %max3A_691 : i32
        %mul3A_693 = arith.constant 8 : i32
        %mul3A_694 = arith.muli %min3A_692, %mul3A_693 : i32
        %add3A_695 = arith.addi %mul3A_2, %mul3A_694 : i32
        %dma_wait3A_696 = arith.constant 5 : i32
        %dma_wait3A_697 = arith.constant 5 : i32
        %dma_wait3A_698 = arith.constant 0 : i32
        %dma_wait3A_699 = arith.constant 0 : i32
        %dma_wait3A_700 = tpu.memref_slice %arg4[%dma_wait3A_696, %dma_wait3A_698, %dma_wait3A_699] : memref<8x8x1792xf32, #tpu.memory_space<vmem>> -> memref<1x8x1792xf32, #tpu.memory_space<vmem>>
        %dma_wait3A_701 = tpu.memref_squeeze %dma_wait3A_700 : memref<1x8x1792xf32, #tpu.memory_space<vmem>> -> memref<8x1792xf32, #tpu.memory_space<vmem>>
        %dma_wait3A_702 = arith.constant 0 : i32
        %dma_wait3A_703 = tpu.memref_slice %arg3[%add3A_695, %dma_wait3A_702] : memref<16384x1792xf32, #tpu.memory_space<hbm>> -> memref<8x1792xf32, #tpu.memory_space<hbm>>
        %dma_wait3A_704 = tpu.memref_slice %arg6[%dma_wait3A_697] : memref<8x!tpu.dma_semaphore, #tpu.memory_space<semaphore_mem>> -> memref<1x!tpu.dma_semaphore, #tpu.memory_space<semaphore_mem>>
        %dma_wait3A_705 = tpu.memref_squeeze %dma_wait3A_704 : memref<1x!tpu.dma_semaphore, #tpu.memory_space<semaphore_mem>> -> memref<!tpu.dma_semaphore, #tpu.memory_space<semaphore_mem>>
        %dma_wait3A_706 = arith.constant 0 : i32
        %dma_wait3A_707 = tpu.memref_slice %arg3[%add3A_695, %dma_wait3A_706] : memref<16384x1792xf32, #tpu.memory_space<hbm>> -> memref<8x1792xf32, #tpu.memory_space<hbm>>
        %dma_wait3A_708 = arith.constant 0 : i32
        %dma_wait3A_709 = arith.constant 0 : i32
        %dma_wait3A_710 = tpu.memref_slice %arg4[%dma_wait3A_696, %dma_wait3A_708, %dma_wait3A_709] : memref<8x8x1792xf32, #tpu.memory_space<vmem>> -> memref<1x8x1792xf32, #tpu.memory_space<vmem>>
        %dma_wait3A_711 = tpu.memref_squeeze %dma_wait3A_710 : memref<1x8x1792xf32, #tpu.memory_space<vmem>> -> memref<8x1792xf32, #tpu.memory_space<vmem>>
        tpu.wait_dma2 semaphore(%dma_wait3A_705 : memref<!tpu.dma_semaphore, #tpu.memory_space<semaphore_mem>>) src(%dma_wait3A_711 : memref<8x1792xf32, #tpu.memory_space<vmem>>) dst(%dma_wait3A_707 : memref<8x1792xf32, #tpu.memory_space<hbm>>)
      } else {
      }
      %lt3A_435 = arith.constant 64 : i32
      %lt3A_436 = arith.cmpi slt, %add3A_429, %lt3A_435 : i32
      %convert_element_type3A_437 = arith.extui %lt3A_436 : i1 to i32
      %cond3A_438 = arith.constant 0 : i32
      %cond3A_439 = arith.cmpi ne, %convert_element_type3A_437, %cond3A_438 : i32
      scf.if %cond3A_439 {
        %jit3A_688 = arith.constant 0 : i32
        %jit3A_689 = arith.constant 63 : i32
        %max3A_690 = arith.maxsi %jit3A_688, %add3A_429 : i32
        %min3A_691 = arith.minsi %jit3A_689, %max3A_690 : i32
        %mul3A_692 = arith.constant 8 : i32
        %mul3A_693 = arith.muli %min3A_691, %mul3A_692 : i32
        %add3A_694 = arith.addi %mul3A_2, %mul3A_693 : i32
        %dma_start3A_695 = arith.constant 5 : i32
        %dma_start3A_696 = arith.constant 5 : i32
        %dma_start3A_697 = arith.constant 0 : i32
        %dma_start3A_698 = arith.constant 0 : i32
        %dma_start3A_699 = tpu.memref_slice %arg4[%dma_start3A_695, %dma_start3A_697, %dma_start3A_698] : memref<8x8x1792xf32, #tpu.memory_space<vmem>> -> memref<1x8x1792xf32, #tpu.memory_space<vmem>>
        %dma_start3A_700 = tpu.memref_squeeze %dma_start3A_699 : memref<1x8x1792xf32, #tpu.memory_space<vmem>> -> memref<8x1792xf32, #tpu.memory_space<vmem>>
        %dma_start3A_701 = arith.constant 0 : i32
        %dma_start3A_702 = tpu.memref_slice %arg2[%add3A_694, %dma_start3A_701] : memref<16384x1792xf32, #tpu.memory_space<hbm>> -> memref<8x1792xf32, #tpu.memory_space<hbm>>
        %dma_start3A_703 = tpu.memref_slice %arg5[%dma_start3A_696] : memref<8x!tpu.dma_semaphore, #tpu.memory_space<semaphore_mem>> -> memref<1x!tpu.dma_semaphore, #tpu.memory_space<semaphore_mem>>
        %dma_start3A_704 = tpu.memref_squeeze %dma_start3A_703 : memref<1x!tpu.dma_semaphore, #tpu.memory_space<semaphore_mem>> -> memref<!tpu.dma_semaphore, #tpu.memory_space<semaphore_mem>>
        %dma_start3A_705 = arith.constant 0 : i32
        %dma_start3A_706 = arith.constant 0 : i32
        %dma_start3A_707 = tpu.memref_slice %arg4[%dma_start3A_695, %dma_start3A_705, %dma_start3A_706] : memref<8x8x1792xf32, #tpu.memory_space<vmem>> -> memref<1x8x1792xf32, #tpu.memory_space<vmem>>
        %dma_start3A_708 = tpu.memref_squeeze %dma_start3A_707 : memref<1x8x1792xf32, #tpu.memory_space<vmem>> -> memref<8x1792xf32, #tpu.memory_space<vmem>>
        %dma_start3A_709 = arith.constant 0 : i32
        %dma_start3A_710 = tpu.memref_slice %arg2[%add3A_694, %dma_start3A_709] : memref<16384x1792xf32, #tpu.memory_space<hbm>> -> memref<8x1792xf32, #tpu.memory_space<hbm>>
        tpu.enqueue_dma source(%dma_start3A_710 : memref<8x1792xf32, #tpu.memory_space<hbm>>) target(%dma_start3A_708 : memref<8x1792xf32, #tpu.memory_space<vmem>>) target_semaphore(%dma_start3A_704 : memref<!tpu.dma_semaphore, #tpu.memory_space<semaphore_mem>>)
      } else {
      }
      %mul3A_440 = arith.constant 8 : i32
      %mul3A_441 = arith.muli %scan3A_195, %mul3A_440 : i32
      %add3A_442 = arith.constant 4 : i32
      %add3A_443 = arith.addi %mul3A_441, %add3A_442 : i32
      %jit3A_444 = arith.constant 0 : i32
      %jit3A_445 = arith.constant 63 : i32
      %max3A_446 = arith.maxsi %jit3A_444, %add3A_443 : i32
      %min3A_447 = arith.minsi %jit3A_445, %max3A_446 : i32
      %mul3A_448 = arith.constant 8 : i32
      %mul3A_449 = arith.muli %min3A_447, %mul3A_448 : i32
      %add3A_450 = arith.addi %mul3A_2, %mul3A_449 : i32
      %dma_wait3A_451 = arith.constant 4 : i32
      %dma_wait3A_452 = arith.constant 4 : i32
      %dma_wait3A_453 = arith.constant 0 : i32
      %dma_wait3A_454 = arith.constant 0 : i32
      %dma_wait3A_455 = tpu.memref_slice %arg4[%dma_wait3A_451, %dma_wait3A_453, %dma_wait3A_454] : memref<8x8x1792xf32, #tpu.memory_space<vmem>> -> memref<1x8x1792xf32, #tpu.memory_space<vmem>>
      %dma_wait3A_456 = tpu.memref_squeeze %dma_wait3A_455 : memref<1x8x1792xf32, #tpu.memory_space<vmem>> -> memref<8x1792xf32, #tpu.memory_space<vmem>>
      %dma_wait3A_457 = arith.constant 0 : i32
      %dma_wait3A_458 = tpu.memref_slice %arg2[%add3A_450, %dma_wait3A_457] : memref<16384x1792xf32, #tpu.memory_space<hbm>> -> memref<8x1792xf32, #tpu.memory_space<hbm>>
      %dma_wait3A_459 = tpu.memref_slice %arg5[%dma_wait3A_452] : memref<8x!tpu.dma_semaphore, #tpu.memory_space<semaphore_mem>> -> memref<1x!tpu.dma_semaphore, #tpu.memory_space<semaphore_mem>>
      %dma_wait3A_460 = tpu.memref_squeeze %dma_wait3A_459 : memref<1x!tpu.dma_semaphore, #tpu.memory_space<semaphore_mem>> -> memref<!tpu.dma_semaphore, #tpu.memory_space<semaphore_mem>>
      %dma_wait3A_461 = arith.constant 0 : i32
      %dma_wait3A_462 = arith.constant 0 : i32
      %dma_wait3A_463 = tpu.memref_slice %arg4[%dma_wait3A_451, %dma_wait3A_461, %dma_wait3A_462] : memref<8x8x1792xf32, #tpu.memory_space<vmem>> -> memref<1x8x1792xf32, #tpu.memory_space<vmem>>
      %dma_wait3A_464 = tpu.memref_squeeze %dma_wait3A_463 : memref<1x8x1792xf32, #tpu.memory_space<vmem>> -> memref<8x1792xf32, #tpu.memory_space<vmem>>
      %dma_wait3A_465 = arith.constant 0 : i32
      %dma_wait3A_466 = tpu.memref_slice %arg2[%add3A_450, %dma_wait3A_465] : memref<16384x1792xf32, #tpu.memory_space<hbm>> -> memref<8x1792xf32, #tpu.memory_space<hbm>>
      tpu.wait_dma2 semaphore(%dma_wait3A_460 : memref<!tpu.dma_semaphore, #tpu.memory_space<semaphore_mem>>) src(%dma_wait3A_466 : memref<8x1792xf32, #tpu.memory_space<hbm>>) dst(%dma_wait3A_464 : memref<8x1792xf32, #tpu.memory_space<vmem>>)
      %jit3A_467 = arith.constant 0 : i32
      %jit3A_468 = arith.constant 63 : i32
      %max3A_469 = arith.maxsi %jit3A_467, %add3A_443 : i32
      %min3A_470 = arith.minsi %jit3A_468, %max3A_469 : i32
      %mul3A_471 = arith.constant 8 : i32
      %mul3A_472 = arith.muli %min3A_470, %mul3A_471 : i32
      %add3A_473 = arith.addi %mul3A_2, %mul3A_472 : i32
      %dma_start3A_474 = arith.constant 4 : i32
      %dma_start3A_475 = arith.constant 4 : i32
      %dma_start3A_476 = arith.constant 0 : i32
      %dma_start3A_477 = arith.constant 0 : i32
      %dma_start3A_478 = tpu.memref_slice %arg4[%dma_start3A_474, %dma_start3A_476, %dma_start3A_477] : memref<8x8x1792xf32, #tpu.memory_space<vmem>> -> memref<1x8x1792xf32, #tpu.memory_space<vmem>>
      %dma_start3A_479 = tpu.memref_squeeze %dma_start3A_478 : memref<1x8x1792xf32, #tpu.memory_space<vmem>> -> memref<8x1792xf32, #tpu.memory_space<vmem>>
      %dma_start3A_480 = arith.constant 0 : i32
      %dma_start3A_481 = tpu.memref_slice %arg3[%add3A_473, %dma_start3A_480] : memref<16384x1792xf32, #tpu.memory_space<hbm>> -> memref<8x1792xf32, #tpu.memory_space<hbm>>
      %dma_start3A_482 = tpu.memref_slice %arg6[%dma_start3A_475] : memref<8x!tpu.dma_semaphore, #tpu.memory_space<semaphore_mem>> -> memref<1x!tpu.dma_semaphore, #tpu.memory_space<semaphore_mem>>
      %dma_start3A_483 = tpu.memref_squeeze %dma_start3A_482 : memref<1x!tpu.dma_semaphore, #tpu.memory_space<semaphore_mem>> -> memref<!tpu.dma_semaphore, #tpu.memory_space<semaphore_mem>>
      %dma_start3A_484 = arith.constant 0 : i32
      %dma_start3A_485 = tpu.memref_slice %arg3[%add3A_473, %dma_start3A_484] : memref<16384x1792xf32, #tpu.memory_space<hbm>> -> memref<8x1792xf32, #tpu.memory_space<hbm>>
      %dma_start3A_486 = arith.constant 0 : i32
      %dma_start3A_487 = arith.constant 0 : i32
      %dma_start3A_488 = tpu.memref_slice %arg4[%dma_start3A_474, %dma_start3A_486, %dma_start3A_487] : memref<8x8x1792xf32, #tpu.memory_space<vmem>> -> memref<1x8x1792xf32, #tpu.memory_space<vmem>>
      %dma_start3A_489 = tpu.memref_squeeze %dma_start3A_488 : memref<1x8x1792xf32, #tpu.memory_space<vmem>> -> memref<8x1792xf32, #tpu.memory_space<vmem>>
      tpu.enqueue_dma source(%dma_start3A_489 : memref<8x1792xf32, #tpu.memory_space<vmem>>) target(%dma_start3A_485 : memref<8x1792xf32, #tpu.memory_space<hbm>>) target_semaphore(%dma_start3A_483 : memref<!tpu.dma_semaphore, #tpu.memory_space<semaphore_mem>>)
      %add3A_490 = arith.constant 2 : i32
      %add3A_491 = arith.addi %add3A_443, %add3A_490 : i32
      %ge3A_492 = arith.constant 8 : i32
      %ge3A_493 = arith.cmpi sge, %add3A_491, %ge3A_492 : i32
      %convert_element_type3A_494 = arith.extui %ge3A_493 : i1 to i32
      %cond3A_495 = arith.constant 0 : i32
      %cond3A_496 = arith.cmpi ne, %convert_element_type3A_494, %cond3A_495 : i32
      scf.if %cond3A_496 {
        %sub3A = arith.constant 8 : i32
        %sub3A_688 = arith.subi %add3A_491, %sub3A : i32
        %jit3A_689 = arith.constant 0 : i32
        %jit3A_690 = arith.constant 63 : i32
        %max3A_691 = arith.maxsi %jit3A_689, %sub3A_688 : i32
        %min3A_692 = arith.minsi %jit3A_690, %max3A_691 : i32
        %mul3A_693 = arith.constant 8 : i32
        %mul3A_694 = arith.muli %min3A_692, %mul3A_693 : i32
        %add3A_695 = arith.addi %mul3A_2, %mul3A_694 : i32
        %dma_wait3A_696 = arith.constant 6 : i32
        %dma_wait3A_697 = arith.constant 6 : i32
        %dma_wait3A_698 = arith.constant 0 : i32
        %dma_wait3A_699 = arith.constant 0 : i32
        %dma_wait3A_700 = tpu.memref_slice %arg4[%dma_wait3A_696, %dma_wait3A_698, %dma_wait3A_699] : memref<8x8x1792xf32, #tpu.memory_space<vmem>> -> memref<1x8x1792xf32, #tpu.memory_space<vmem>>
        %dma_wait3A_701 = tpu.memref_squeeze %dma_wait3A_700 : memref<1x8x1792xf32, #tpu.memory_space<vmem>> -> memref<8x1792xf32, #tpu.memory_space<vmem>>
        %dma_wait3A_702 = arith.constant 0 : i32
        %dma_wait3A_703 = tpu.memref_slice %arg3[%add3A_695, %dma_wait3A_702] : memref<16384x1792xf32, #tpu.memory_space<hbm>> -> memref<8x1792xf32, #tpu.memory_space<hbm>>
        %dma_wait3A_704 = tpu.memref_slice %arg6[%dma_wait3A_697] : memref<8x!tpu.dma_semaphore, #tpu.memory_space<semaphore_mem>> -> memref<1x!tpu.dma_semaphore, #tpu.memory_space<semaphore_mem>>
        %dma_wait3A_705 = tpu.memref_squeeze %dma_wait3A_704 : memref<1x!tpu.dma_semaphore, #tpu.memory_space<semaphore_mem>> -> memref<!tpu.dma_semaphore, #tpu.memory_space<semaphore_mem>>
        %dma_wait3A_706 = arith.constant 0 : i32
        %dma_wait3A_707 = tpu.memref_slice %arg3[%add3A_695, %dma_wait3A_706] : memref<16384x1792xf32, #tpu.memory_space<hbm>> -> memref<8x1792xf32, #tpu.memory_space<hbm>>
        %dma_wait3A_708 = arith.constant 0 : i32
        %dma_wait3A_709 = arith.constant 0 : i32
        %dma_wait3A_710 = tpu.memref_slice %arg4[%dma_wait3A_696, %dma_wait3A_708, %dma_wait3A_709] : memref<8x8x1792xf32, #tpu.memory_space<vmem>> -> memref<1x8x1792xf32, #tpu.memory_space<vmem>>
        %dma_wait3A_711 = tpu.memref_squeeze %dma_wait3A_710 : memref<1x8x1792xf32, #tpu.memory_space<vmem>> -> memref<8x1792xf32, #tpu.memory_space<vmem>>
        tpu.wait_dma2 semaphore(%dma_wait3A_705 : memref<!tpu.dma_semaphore, #tpu.memory_space<semaphore_mem>>) src(%dma_wait3A_711 : memref<8x1792xf32, #tpu.memory_space<vmem>>) dst(%dma_wait3A_707 : memref<8x1792xf32, #tpu.memory_space<hbm>>)
      } else {
      }
      %lt3A_497 = arith.constant 64 : i32
      %lt3A_498 = arith.cmpi slt, %add3A_491, %lt3A_497 : i32
      %convert_element_type3A_499 = arith.extui %lt3A_498 : i1 to i32
      %cond3A_500 = arith.constant 0 : i32
      %cond3A_501 = arith.cmpi ne, %convert_element_type3A_499, %cond3A_500 : i32
      scf.if %cond3A_501 {
        %jit3A_688 = arith.constant 0 : i32
        %jit3A_689 = arith.constant 63 : i32
        %max3A_690 = arith.maxsi %jit3A_688, %add3A_491 : i32
        %min3A_691 = arith.minsi %jit3A_689, %max3A_690 : i32
        %mul3A_692 = arith.constant 8 : i32
        %mul3A_693 = arith.muli %min3A_691, %mul3A_692 : i32
        %add3A_694 = arith.addi %mul3A_2, %mul3A_693 : i32
        %dma_start3A_695 = arith.constant 6 : i32
        %dma_start3A_696 = arith.constant 6 : i32
        %dma_start3A_697 = arith.constant 0 : i32
        %dma_start3A_698 = arith.constant 0 : i32
        %dma_start3A_699 = tpu.memref_slice %arg4[%dma_start3A_695, %dma_start3A_697, %dma_start3A_698] : memref<8x8x1792xf32, #tpu.memory_space<vmem>> -> memref<1x8x1792xf32, #tpu.memory_space<vmem>>
        %dma_start3A_700 = tpu.memref_squeeze %dma_start3A_699 : memref<1x8x1792xf32, #tpu.memory_space<vmem>> -> memref<8x1792xf32, #tpu.memory_space<vmem>>
        %dma_start3A_701 = arith.constant 0 : i32
        %dma_start3A_702 = tpu.memref_slice %arg2[%add3A_694, %dma_start3A_701] : memref<16384x1792xf32, #tpu.memory_space<hbm>> -> memref<8x1792xf32, #tpu.memory_space<hbm>>
        %dma_start3A_703 = tpu.memref_slice %arg5[%dma_start3A_696] : memref<8x!tpu.dma_semaphore, #tpu.memory_space<semaphore_mem>> -> memref<1x!tpu.dma_semaphore, #tpu.memory_space<semaphore_mem>>
        %dma_start3A_704 = tpu.memref_squeeze %dma_start3A_703 : memref<1x!tpu.dma_semaphore, #tpu.memory_space<semaphore_mem>> -> memref<!tpu.dma_semaphore, #tpu.memory_space<semaphore_mem>>
        %dma_start3A_705 = arith.constant 0 : i32
        %dma_start3A_706 = arith.constant 0 : i32
        %dma_start3A_707 = tpu.memref_slice %arg4[%dma_start3A_695, %dma_start3A_705, %dma_start3A_706] : memref<8x8x1792xf32, #tpu.memory_space<vmem>> -> memref<1x8x1792xf32, #tpu.memory_space<vmem>>
        %dma_start3A_708 = tpu.memref_squeeze %dma_start3A_707 : memref<1x8x1792xf32, #tpu.memory_space<vmem>> -> memref<8x1792xf32, #tpu.memory_space<vmem>>
        %dma_start3A_709 = arith.constant 0 : i32
        %dma_start3A_710 = tpu.memref_slice %arg2[%add3A_694, %dma_start3A_709] : memref<16384x1792xf32, #tpu.memory_space<hbm>> -> memref<8x1792xf32, #tpu.memory_space<hbm>>
        tpu.enqueue_dma source(%dma_start3A_710 : memref<8x1792xf32, #tpu.memory_space<hbm>>) target(%dma_start3A_708 : memref<8x1792xf32, #tpu.memory_space<vmem>>) target_semaphore(%dma_start3A_704 : memref<!tpu.dma_semaphore, #tpu.memory_space<semaphore_mem>>)
      } else {
      }
      %mul3A_502 = arith.constant 8 : i32
      %mul3A_503 = arith.muli %scan3A_195, %mul3A_502 : i32
      %add3A_504 = arith.constant 5 : i32
      %add3A_505 = arith.addi %mul3A_503, %add3A_504 : i32
      %jit3A_506 = arith.constant 0 : i32
      %jit3A_507 = arith.constant 63 : i32
      %max3A_508 = arith.maxsi %jit3A_506, %add3A_505 : i32
      %min3A_509 = arith.minsi %jit3A_507, %max3A_508 : i32
      %mul3A_510 = arith.constant 8 : i32
      %mul3A_511 = arith.muli %min3A_509, %mul3A_510 : i32
      %add3A_512 = arith.addi %mul3A_2, %mul3A_511 : i32
      %dma_wait3A_513 = arith.constant 5 : i32
      %dma_wait3A_514 = arith.constant 5 : i32
      %dma_wait3A_515 = arith.constant 0 : i32
      %dma_wait3A_516 = arith.constant 0 : i32
      %dma_wait3A_517 = tpu.memref_slice %arg4[%dma_wait3A_513, %dma_wait3A_515, %dma_wait3A_516] : memref<8x8x1792xf32, #tpu.memory_space<vmem>> -> memref<1x8x1792xf32, #tpu.memory_space<vmem>>
      %dma_wait3A_518 = tpu.memref_squeeze %dma_wait3A_517 : memref<1x8x1792xf32, #tpu.memory_space<vmem>> -> memref<8x1792xf32, #tpu.memory_space<vmem>>
      %dma_wait3A_519 = arith.constant 0 : i32
      %dma_wait3A_520 = tpu.memref_slice %arg2[%add3A_512, %dma_wait3A_519] : memref<16384x1792xf32, #tpu.memory_space<hbm>> -> memref<8x1792xf32, #tpu.memory_space<hbm>>
      %dma_wait3A_521 = tpu.memref_slice %arg5[%dma_wait3A_514] : memref<8x!tpu.dma_semaphore, #tpu.memory_space<semaphore_mem>> -> memref<1x!tpu.dma_semaphore, #tpu.memory_space<semaphore_mem>>
      %dma_wait3A_522 = tpu.memref_squeeze %dma_wait3A_521 : memref<1x!tpu.dma_semaphore, #tpu.memory_space<semaphore_mem>> -> memref<!tpu.dma_semaphore, #tpu.memory_space<semaphore_mem>>
      %dma_wait3A_523 = arith.constant 0 : i32
      %dma_wait3A_524 = arith.constant 0 : i32
      %dma_wait3A_525 = tpu.memref_slice %arg4[%dma_wait3A_513, %dma_wait3A_523, %dma_wait3A_524] : memref<8x8x1792xf32, #tpu.memory_space<vmem>> -> memref<1x8x1792xf32, #tpu.memory_space<vmem>>
      %dma_wait3A_526 = tpu.memref_squeeze %dma_wait3A_525 : memref<1x8x1792xf32, #tpu.memory_space<vmem>> -> memref<8x1792xf32, #tpu.memory_space<vmem>>
      %dma_wait3A_527 = arith.constant 0 : i32
      %dma_wait3A_528 = tpu.memref_slice %arg2[%add3A_512, %dma_wait3A_527] : memref<16384x1792xf32, #tpu.memory_space<hbm>> -> memref<8x1792xf32, #tpu.memory_space<hbm>>
      tpu.wait_dma2 semaphore(%dma_wait3A_522 : memref<!tpu.dma_semaphore, #tpu.memory_space<semaphore_mem>>) src(%dma_wait3A_528 : memref<8x1792xf32, #tpu.memory_space<hbm>>) dst(%dma_wait3A_526 : memref<8x1792xf32, #tpu.memory_space<vmem>>)
      %jit3A_529 = arith.constant 0 : i32
      %jit3A_530 = arith.constant 63 : i32
      %max3A_531 = arith.maxsi %jit3A_529, %add3A_505 : i32
      %min3A_532 = arith.minsi %jit3A_530, %max3A_531 : i32
      %mul3A_533 = arith.constant 8 : i32
      %mul3A_534 = arith.muli %min3A_532, %mul3A_533 : i32
      %add3A_535 = arith.addi %mul3A_2, %mul3A_534 : i32
      %dma_start3A_536 = arith.constant 5 : i32
      %dma_start3A_537 = arith.constant 5 : i32
      %dma_start3A_538 = arith.constant 0 : i32
      %dma_start3A_539 = arith.constant 0 : i32
      %dma_start3A_540 = tpu.memref_slice %arg4[%dma_start3A_536, %dma_start3A_538, %dma_start3A_539] : memref<8x8x1792xf32, #tpu.memory_space<vmem>> -> memref<1x8x1792xf32, #tpu.memory_space<vmem>>
      %dma_start3A_541 = tpu.memref_squeeze %dma_start3A_540 : memref<1x8x1792xf32, #tpu.memory_space<vmem>> -> memref<8x1792xf32, #tpu.memory_space<vmem>>
      %dma_start3A_542 = arith.constant 0 : i32
      %dma_start3A_543 = tpu.memref_slice %arg3[%add3A_535, %dma_start3A_542] : memref<16384x1792xf32, #tpu.memory_space<hbm>> -> memref<8x1792xf32, #tpu.memory_space<hbm>>
      %dma_start3A_544 = tpu.memref_slice %arg6[%dma_start3A_537] : memref<8x!tpu.dma_semaphore, #tpu.memory_space<semaphore_mem>> -> memref<1x!tpu.dma_semaphore, #tpu.memory_space<semaphore_mem>>
      %dma_start3A_545 = tpu.memref_squeeze %dma_start3A_544 : memref<1x!tpu.dma_semaphore, #tpu.memory_space<semaphore_mem>> -> memref<!tpu.dma_semaphore, #tpu.memory_space<semaphore_mem>>
      %dma_start3A_546 = arith.constant 0 : i32
      %dma_start3A_547 = tpu.memref_slice %arg3[%add3A_535, %dma_start3A_546] : memref<16384x1792xf32, #tpu.memory_space<hbm>> -> memref<8x1792xf32, #tpu.memory_space<hbm>>
      %dma_start3A_548 = arith.constant 0 : i32
      %dma_start3A_549 = arith.constant 0 : i32
      %dma_start3A_550 = tpu.memref_slice %arg4[%dma_start3A_536, %dma_start3A_548, %dma_start3A_549] : memref<8x8x1792xf32, #tpu.memory_space<vmem>> -> memref<1x8x1792xf32, #tpu.memory_space<vmem>>
      %dma_start3A_551 = tpu.memref_squeeze %dma_start3A_550 : memref<1x8x1792xf32, #tpu.memory_space<vmem>> -> memref<8x1792xf32, #tpu.memory_space<vmem>>
      tpu.enqueue_dma source(%dma_start3A_551 : memref<8x1792xf32, #tpu.memory_space<vmem>>) target(%dma_start3A_547 : memref<8x1792xf32, #tpu.memory_space<hbm>>) target_semaphore(%dma_start3A_545 : memref<!tpu.dma_semaphore, #tpu.memory_space<semaphore_mem>>)
      %add3A_552 = arith.constant 2 : i32
      %add3A_553 = arith.addi %add3A_505, %add3A_552 : i32
      %ge3A_554 = arith.constant 8 : i32
      %ge3A_555 = arith.cmpi sge, %add3A_553, %ge3A_554 : i32
      %convert_element_type3A_556 = arith.extui %ge3A_555 : i1 to i32
      %cond3A_557 = arith.constant 0 : i32
      %cond3A_558 = arith.cmpi ne, %convert_element_type3A_556, %cond3A_557 : i32
      scf.if %cond3A_558 {
        %sub3A = arith.constant 8 : i32
        %sub3A_688 = arith.subi %add3A_553, %sub3A : i32
        %jit3A_689 = arith.constant 0 : i32
        %jit3A_690 = arith.constant 63 : i32
        %max3A_691 = arith.maxsi %jit3A_689, %sub3A_688 : i32
        %min3A_692 = arith.minsi %jit3A_690, %max3A_691 : i32
        %mul3A_693 = arith.constant 8 : i32
        %mul3A_694 = arith.muli %min3A_692, %mul3A_693 : i32
        %add3A_695 = arith.addi %mul3A_2, %mul3A_694 : i32
        %dma_wait3A_696 = arith.constant 7 : i32
        %dma_wait3A_697 = arith.constant 7 : i32
        %dma_wait3A_698 = arith.constant 0 : i32
        %dma_wait3A_699 = arith.constant 0 : i32
        %dma_wait3A_700 = tpu.memref_slice %arg4[%dma_wait3A_696, %dma_wait3A_698, %dma_wait3A_699] : memref<8x8x1792xf32, #tpu.memory_space<vmem>> -> memref<1x8x1792xf32, #tpu.memory_space<vmem>>
        %dma_wait3A_701 = tpu.memref_squeeze %dma_wait3A_700 : memref<1x8x1792xf32, #tpu.memory_space<vmem>> -> memref<8x1792xf32, #tpu.memory_space<vmem>>
        %dma_wait3A_702 = arith.constant 0 : i32
        %dma_wait3A_703 = tpu.memref_slice %arg3[%add3A_695, %dma_wait3A_702] : memref<16384x1792xf32, #tpu.memory_space<hbm>> -> memref<8x1792xf32, #tpu.memory_space<hbm>>
        %dma_wait3A_704 = tpu.memref_slice %arg6[%dma_wait3A_697] : memref<8x!tpu.dma_semaphore, #tpu.memory_space<semaphore_mem>> -> memref<1x!tpu.dma_semaphore, #tpu.memory_space<semaphore_mem>>
        %dma_wait3A_705 = tpu.memref_squeeze %dma_wait3A_704 : memref<1x!tpu.dma_semaphore, #tpu.memory_space<semaphore_mem>> -> memref<!tpu.dma_semaphore, #tpu.memory_space<semaphore_mem>>
        %dma_wait3A_706 = arith.constant 0 : i32
        %dma_wait3A_707 = tpu.memref_slice %arg3[%add3A_695, %dma_wait3A_706] : memref<16384x1792xf32, #tpu.memory_space<hbm>> -> memref<8x1792xf32, #tpu.memory_space<hbm>>
        %dma_wait3A_708 = arith.constant 0 : i32
        %dma_wait3A_709 = arith.constant 0 : i32
        %dma_wait3A_710 = tpu.memref_slice %arg4[%dma_wait3A_696, %dma_wait3A_708, %dma_wait3A_709] : memref<8x8x1792xf32, #tpu.memory_space<vmem>> -> memref<1x8x1792xf32, #tpu.memory_space<vmem>>
        %dma_wait3A_711 = tpu.memref_squeeze %dma_wait3A_710 : memref<1x8x1792xf32, #tpu.memory_space<vmem>> -> memref<8x1792xf32, #tpu.memory_space<vmem>>
        tpu.wait_dma2 semaphore(%dma_wait3A_705 : memref<!tpu.dma_semaphore, #tpu.memory_space<semaphore_mem>>) src(%dma_wait3A_711 : memref<8x1792xf32, #tpu.memory_space<vmem>>) dst(%dma_wait3A_707 : memref<8x1792xf32, #tpu.memory_space<hbm>>)
      } else {
      }
      %lt3A_559 = arith.constant 64 : i32
      %lt3A_560 = arith.cmpi slt, %add3A_553, %lt3A_559 : i32
      %convert_element_type3A_561 = arith.extui %lt3A_560 : i1 to i32
      %cond3A_562 = arith.constant 0 : i32
      %cond3A_563 = arith.cmpi ne, %convert_element_type3A_561, %cond3A_562 : i32
      scf.if %cond3A_563 {
        %jit3A_688 = arith.constant 0 : i32
        %jit3A_689 = arith.constant 63 : i32
        %max3A_690 = arith.maxsi %jit3A_688, %add3A_553 : i32
        %min3A_691 = arith.minsi %jit3A_689, %max3A_690 : i32
        %mul3A_692 = arith.constant 8 : i32
        %mul3A_693 = arith.muli %min3A_691, %mul3A_692 : i32
        %add3A_694 = arith.addi %mul3A_2, %mul3A_693 : i32
        %dma_start3A_695 = arith.constant 7 : i32
        %dma_start3A_696 = arith.constant 7 : i32
        %dma_start3A_697 = arith.constant 0 : i32
        %dma_start3A_698 = arith.constant 0 : i32
        %dma_start3A_699 = tpu.memref_slice %arg4[%dma_start3A_695, %dma_start3A_697, %dma_start3A_698] : memref<8x8x1792xf32, #tpu.memory_space<vmem>> -> memref<1x8x1792xf32, #tpu.memory_space<vmem>>
        %dma_start3A_700 = tpu.memref_squeeze %dma_start3A_699 : memref<1x8x1792xf32, #tpu.memory_space<vmem>> -> memref<8x1792xf32, #tpu.memory_space<vmem>>
        %dma_start3A_701 = arith.constant 0 : i32
        %dma_start3A_702 = tpu.memref_slice %arg2[%add3A_694, %dma_start3A_701] : memref<16384x1792xf32, #tpu.memory_space<hbm>> -> memref<8x1792xf32, #tpu.memory_space<hbm>>
        %dma_start3A_703 = tpu.memref_slice %arg5[%dma_start3A_696] : memref<8x!tpu.dma_semaphore, #tpu.memory_space<semaphore_mem>> -> memref<1x!tpu.dma_semaphore, #tpu.memory_space<semaphore_mem>>
        %dma_start3A_704 = tpu.memref_squeeze %dma_start3A_703 : memref<1x!tpu.dma_semaphore, #tpu.memory_space<semaphore_mem>> -> memref<!tpu.dma_semaphore, #tpu.memory_space<semaphore_mem>>
        %dma_start3A_705 = arith.constant 0 : i32
        %dma_start3A_706 = arith.constant 0 : i32
        %dma_start3A_707 = tpu.memref_slice %arg4[%dma_start3A_695, %dma_start3A_705, %dma_start3A_706] : memref<8x8x1792xf32, #tpu.memory_space<vmem>> -> memref<1x8x1792xf32, #tpu.memory_space<vmem>>
        %dma_start3A_708 = tpu.memref_squeeze %dma_start3A_707 : memref<1x8x1792xf32, #tpu.memory_space<vmem>> -> memref<8x1792xf32, #tpu.memory_space<vmem>>
        %dma_start3A_709 = arith.constant 0 : i32
        %dma_start3A_710 = tpu.memref_slice %arg2[%add3A_694, %dma_start3A_709] : memref<16384x1792xf32, #tpu.memory_space<hbm>> -> memref<8x1792xf32, #tpu.memory_space<hbm>>
        tpu.enqueue_dma source(%dma_start3A_710 : memref<8x1792xf32, #tpu.memory_space<hbm>>) target(%dma_start3A_708 : memref<8x1792xf32, #tpu.memory_space<vmem>>) target_semaphore(%dma_start3A_704 : memref<!tpu.dma_semaphore, #tpu.memory_space<semaphore_mem>>)
      } else {
      }
      %mul3A_564 = arith.constant 8 : i32
      %mul3A_565 = arith.muli %scan3A_195, %mul3A_564 : i32
      %add3A_566 = arith.constant 6 : i32
      %add3A_567 = arith.addi %mul3A_565, %add3A_566 : i32
      %jit3A_568 = arith.constant 0 : i32
      %jit3A_569 = arith.constant 63 : i32
      %max3A_570 = arith.maxsi %jit3A_568, %add3A_567 : i32
      %min3A_571 = arith.minsi %jit3A_569, %max3A_570 : i32
      %mul3A_572 = arith.constant 8 : i32
      %mul3A_573 = arith.muli %min3A_571, %mul3A_572 : i32
      %add3A_574 = arith.addi %mul3A_2, %mul3A_573 : i32
      %dma_wait3A_575 = arith.constant 6 : i32
      %dma_wait3A_576 = arith.constant 6 : i32
      %dma_wait3A_577 = arith.constant 0 : i32
      %dma_wait3A_578 = arith.constant 0 : i32
      %dma_wait3A_579 = tpu.memref_slice %arg4[%dma_wait3A_575, %dma_wait3A_577, %dma_wait3A_578] : memref<8x8x1792xf32, #tpu.memory_space<vmem>> -> memref<1x8x1792xf32, #tpu.memory_space<vmem>>
      %dma_wait3A_580 = tpu.memref_squeeze %dma_wait3A_579 : memref<1x8x1792xf32, #tpu.memory_space<vmem>> -> memref<8x1792xf32, #tpu.memory_space<vmem>>
      %dma_wait3A_581 = arith.constant 0 : i32
      %dma_wait3A_582 = tpu.memref_slice %arg2[%add3A_574, %dma_wait3A_581] : memref<16384x1792xf32, #tpu.memory_space<hbm>> -> memref<8x1792xf32, #tpu.memory_space<hbm>>
      %dma_wait3A_583 = tpu.memref_slice %arg5[%dma_wait3A_576] : memref<8x!tpu.dma_semaphore, #tpu.memory_space<semaphore_mem>> -> memref<1x!tpu.dma_semaphore, #tpu.memory_space<semaphore_mem>>
      %dma_wait3A_584 = tpu.memref_squeeze %dma_wait3A_583 : memref<1x!tpu.dma_semaphore, #tpu.memory_space<semaphore_mem>> -> memref<!tpu.dma_semaphore, #tpu.memory_space<semaphore_mem>>
      %dma_wait3A_585 = arith.constant 0 : i32
      %dma_wait3A_586 = arith.constant 0 : i32
      %dma_wait3A_587 = tpu.memref_slice %arg4[%dma_wait3A_575, %dma_wait3A_585, %dma_wait3A_586] : memref<8x8x1792xf32, #tpu.memory_space<vmem>> -> memref<1x8x1792xf32, #tpu.memory_space<vmem>>
      %dma_wait3A_588 = tpu.memref_squeeze %dma_wait3A_587 : memref<1x8x1792xf32, #tpu.memory_space<vmem>> -> memref<8x1792xf32, #tpu.memory_space<vmem>>
      %dma_wait3A_589 = arith.constant 0 : i32
      %dma_wait3A_590 = tpu.memref_slice %arg2[%add3A_574, %dma_wait3A_589] : memref<16384x1792xf32, #tpu.memory_space<hbm>> -> memref<8x1792xf32, #tpu.memory_space<hbm>>
      tpu.wait_dma2 semaphore(%dma_wait3A_584 : memref<!tpu.dma_semaphore, #tpu.memory_space<semaphore_mem>>) src(%dma_wait3A_590 : memref<8x1792xf32, #tpu.memory_space<hbm>>) dst(%dma_wait3A_588 : memref<8x1792xf32, #tpu.memory_space<vmem>>)
      %jit3A_591 = arith.constant 0 : i32
      %jit3A_592 = arith.constant 63 : i32
      %max3A_593 = arith.maxsi %jit3A_591, %add3A_567 : i32
      %min3A_594 = arith.minsi %jit3A_592, %max3A_593 : i32
      %mul3A_595 = arith.constant 8 : i32
      %mul3A_596 = arith.muli %min3A_594, %mul3A_595 : i32
      %add3A_597 = arith.addi %mul3A_2, %mul3A_596 : i32
      %dma_start3A_598 = arith.constant 6 : i32
      %dma_start3A_599 = arith.constant 6 : i32
      %dma_start3A_600 = arith.constant 0 : i32
      %dma_start3A_601 = arith.constant 0 : i32
      %dma_start3A_602 = tpu.memref_slice %arg4[%dma_start3A_598, %dma_start3A_600, %dma_start3A_601] : memref<8x8x1792xf32, #tpu.memory_space<vmem>> -> memref<1x8x1792xf32, #tpu.memory_space<vmem>>
      %dma_start3A_603 = tpu.memref_squeeze %dma_start3A_602 : memref<1x8x1792xf32, #tpu.memory_space<vmem>> -> memref<8x1792xf32, #tpu.memory_space<vmem>>
      %dma_start3A_604 = arith.constant 0 : i32
      %dma_start3A_605 = tpu.memref_slice %arg3[%add3A_597, %dma_start3A_604] : memref<16384x1792xf32, #tpu.memory_space<hbm>> -> memref<8x1792xf32, #tpu.memory_space<hbm>>
      %dma_start3A_606 = tpu.memref_slice %arg6[%dma_start3A_599] : memref<8x!tpu.dma_semaphore, #tpu.memory_space<semaphore_mem>> -> memref<1x!tpu.dma_semaphore, #tpu.memory_space<semaphore_mem>>
      %dma_start3A_607 = tpu.memref_squeeze %dma_start3A_606 : memref<1x!tpu.dma_semaphore, #tpu.memory_space<semaphore_mem>> -> memref<!tpu.dma_semaphore, #tpu.memory_space<semaphore_mem>>
      %dma_start3A_608 = arith.constant 0 : i32
      %dma_start3A_609 = tpu.memref_slice %arg3[%add3A_597, %dma_start3A_608] : memref<16384x1792xf32, #tpu.memory_space<hbm>> -> memref<8x1792xf32, #tpu.memory_space<hbm>>
      %dma_start3A_610 = arith.constant 0 : i32
      %dma_start3A_611 = arith.constant 0 : i32
      %dma_start3A_612 = tpu.memref_slice %arg4[%dma_start3A_598, %dma_start3A_610, %dma_start3A_611] : memref<8x8x1792xf32, #tpu.memory_space<vmem>> -> memref<1x8x1792xf32, #tpu.memory_space<vmem>>
      %dma_start3A_613 = tpu.memref_squeeze %dma_start3A_612 : memref<1x8x1792xf32, #tpu.memory_space<vmem>> -> memref<8x1792xf32, #tpu.memory_space<vmem>>
      tpu.enqueue_dma source(%dma_start3A_613 : memref<8x1792xf32, #tpu.memory_space<vmem>>) target(%dma_start3A_609 : memref<8x1792xf32, #tpu.memory_space<hbm>>) target_semaphore(%dma_start3A_607 : memref<!tpu.dma_semaphore, #tpu.memory_space<semaphore_mem>>)
      %add3A_614 = arith.constant 2 : i32
      %add3A_615 = arith.addi %add3A_567, %add3A_614 : i32
      %ge3A_616 = arith.constant 8 : i32
      %ge3A_617 = arith.cmpi sge, %add3A_615, %ge3A_616 : i32
      %convert_element_type3A_618 = arith.extui %ge3A_617 : i1 to i32
      %cond3A_619 = arith.constant 0 : i32
      %cond3A_620 = arith.cmpi ne, %convert_element_type3A_618, %cond3A_619 : i32
      scf.if %cond3A_620 {
        %sub3A = arith.constant 8 : i32
        %sub3A_688 = arith.subi %add3A_615, %sub3A : i32
        %jit3A_689 = arith.constant 0 : i32
        %jit3A_690 = arith.constant 63 : i32
        %max3A_691 = arith.maxsi %jit3A_689, %sub3A_688 : i32
        %min3A_692 = arith.minsi %jit3A_690, %max3A_691 : i32
        %mul3A_693 = arith.constant 8 : i32
        %mul3A_694 = arith.muli %min3A_692, %mul3A_693 : i32
        %add3A_695 = arith.addi %mul3A_2, %mul3A_694 : i32
        %dma_wait3A_696 = arith.constant 0 : i32
        %dma_wait3A_697 = arith.constant 0 : i32
        %dma_wait3A_698 = arith.constant 0 : i32
        %dma_wait3A_699 = arith.constant 0 : i32
        %dma_wait3A_700 = tpu.memref_slice %arg4[%dma_wait3A_696, %dma_wait3A_698, %dma_wait3A_699] : memref<8x8x1792xf32, #tpu.memory_space<vmem>> -> memref<1x8x1792xf32, #tpu.memory_space<vmem>>
        %dma_wait3A_701 = tpu.memref_squeeze %dma_wait3A_700 : memref<1x8x1792xf32, #tpu.memory_space<vmem>> -> memref<8x1792xf32, #tpu.memory_space<vmem>>
        %dma_wait3A_702 = arith.constant 0 : i32
        %dma_wait3A_703 = tpu.memref_slice %arg3[%add3A_695, %dma_wait3A_702] : memref<16384x1792xf32, #tpu.memory_space<hbm>> -> memref<8x1792xf32, #tpu.memory_space<hbm>>
        %dma_wait3A_704 = tpu.memref_slice %arg6[%dma_wait3A_697] : memref<8x!tpu.dma_semaphore, #tpu.memory_space<semaphore_mem>> -> memref<1x!tpu.dma_semaphore, #tpu.memory_space<semaphore_mem>>
        %dma_wait3A_705 = tpu.memref_squeeze %dma_wait3A_704 : memref<1x!tpu.dma_semaphore, #tpu.memory_space<semaphore_mem>> -> memref<!tpu.dma_semaphore, #tpu.memory_space<semaphore_mem>>
        %dma_wait3A_706 = arith.constant 0 : i32
        %dma_wait3A_707 = tpu.memref_slice %arg3[%add3A_695, %dma_wait3A_706] : memref<16384x1792xf32, #tpu.memory_space<hbm>> -> memref<8x1792xf32, #tpu.memory_space<hbm>>
        %dma_wait3A_708 = arith.constant 0 : i32
        %dma_wait3A_709 = arith.constant 0 : i32
        %dma_wait3A_710 = tpu.memref_slice %arg4[%dma_wait3A_696, %dma_wait3A_708, %dma_wait3A_709] : memref<8x8x1792xf32, #tpu.memory_space<vmem>> -> memref<1x8x1792xf32, #tpu.memory_space<vmem>>
        %dma_wait3A_711 = tpu.memref_squeeze %dma_wait3A_710 : memref<1x8x1792xf32, #tpu.memory_space<vmem>> -> memref<8x1792xf32, #tpu.memory_space<vmem>>
        tpu.wait_dma2 semaphore(%dma_wait3A_705 : memref<!tpu.dma_semaphore, #tpu.memory_space<semaphore_mem>>) src(%dma_wait3A_711 : memref<8x1792xf32, #tpu.memory_space<vmem>>) dst(%dma_wait3A_707 : memref<8x1792xf32, #tpu.memory_space<hbm>>)
      } else {
      }
      %lt3A_621 = arith.constant 64 : i32
      %lt3A_622 = arith.cmpi slt, %add3A_615, %lt3A_621 : i32
      %convert_element_type3A_623 = arith.extui %lt3A_622 : i1 to i32
      %cond3A_624 = arith.constant 0 : i32
      %cond3A_625 = arith.cmpi ne, %convert_element_type3A_623, %cond3A_624 : i32
      scf.if %cond3A_625 {
        %jit3A_688 = arith.constant 0 : i32
        %jit3A_689 = arith.constant 63 : i32
        %max3A_690 = arith.maxsi %jit3A_688, %add3A_615 : i32
        %min3A_691 = arith.minsi %jit3A_689, %max3A_690 : i32
        %mul3A_692 = arith.constant 8 : i32
        %mul3A_693 = arith.muli %min3A_691, %mul3A_692 : i32
        %add3A_694 = arith.addi %mul3A_2, %mul3A_693 : i32
        %dma_start3A_695 = arith.constant 0 : i32
        %dma_start3A_696 = arith.constant 0 : i32
        %dma_start3A_697 = arith.constant 0 : i32
        %dma_start3A_698 = arith.constant 0 : i32
        %dma_start3A_699 = tpu.memref_slice %arg4[%dma_start3A_695, %dma_start3A_697, %dma_start3A_698] : memref<8x8x1792xf32, #tpu.memory_space<vmem>> -> memref<1x8x1792xf32, #tpu.memory_space<vmem>>
        %dma_start3A_700 = tpu.memref_squeeze %dma_start3A_699 : memref<1x8x1792xf32, #tpu.memory_space<vmem>> -> memref<8x1792xf32, #tpu.memory_space<vmem>>
        %dma_start3A_701 = arith.constant 0 : i32
        %dma_start3A_702 = tpu.memref_slice %arg2[%add3A_694, %dma_start3A_701] : memref<16384x1792xf32, #tpu.memory_space<hbm>> -> memref<8x1792xf32, #tpu.memory_space<hbm>>
        %dma_start3A_703 = tpu.memref_slice %arg5[%dma_start3A_696] : memref<8x!tpu.dma_semaphore, #tpu.memory_space<semaphore_mem>> -> memref<1x!tpu.dma_semaphore, #tpu.memory_space<semaphore_mem>>
        %dma_start3A_704 = tpu.memref_squeeze %dma_start3A_703 : memref<1x!tpu.dma_semaphore, #tpu.memory_space<semaphore_mem>> -> memref<!tpu.dma_semaphore, #tpu.memory_space<semaphore_mem>>
        %dma_start3A_705 = arith.constant 0 : i32
        %dma_start3A_706 = arith.constant 0 : i32
        %dma_start3A_707 = tpu.memref_slice %arg4[%dma_start3A_695, %dma_start3A_705, %dma_start3A_706] : memref<8x8x1792xf32, #tpu.memory_space<vmem>> -> memref<1x8x1792xf32, #tpu.memory_space<vmem>>
        %dma_start3A_708 = tpu.memref_squeeze %dma_start3A_707 : memref<1x8x1792xf32, #tpu.memory_space<vmem>> -> memref<8x1792xf32, #tpu.memory_space<vmem>>
        %dma_start3A_709 = arith.constant 0 : i32
        %dma_start3A_710 = tpu.memref_slice %arg2[%add3A_694, %dma_start3A_709] : memref<16384x1792xf32, #tpu.memory_space<hbm>> -> memref<8x1792xf32, #tpu.memory_space<hbm>>
        tpu.enqueue_dma source(%dma_start3A_710 : memref<8x1792xf32, #tpu.memory_space<hbm>>) target(%dma_start3A_708 : memref<8x1792xf32, #tpu.memory_space<vmem>>) target_semaphore(%dma_start3A_704 : memref<!tpu.dma_semaphore, #tpu.memory_space<semaphore_mem>>)
      } else {
      }
      %mul3A_626 = arith.constant 8 : i32
      %mul3A_627 = arith.muli %scan3A_195, %mul3A_626 : i32
      %add3A_628 = arith.constant 7 : i32
      %add3A_629 = arith.addi %mul3A_627, %add3A_628 : i32
      %jit3A_630 = arith.constant 0 : i32
      %jit3A_631 = arith.constant 63 : i32
      %max3A_632 = arith.maxsi %jit3A_630, %add3A_629 : i32
      %min3A_633 = arith.minsi %jit3A_631, %max3A_632 : i32
      %mul3A_634 = arith.constant 8 : i32
      %mul3A_635 = arith.muli %min3A_633, %mul3A_634 : i32
      %add3A_636 = arith.addi %mul3A_2, %mul3A_635 : i32
      %dma_wait3A_637 = arith.constant 7 : i32
      %dma_wait3A_638 = arith.constant 7 : i32
      %dma_wait3A_639 = arith.constant 0 : i32
      %dma_wait3A_640 = arith.constant 0 : i32
      %dma_wait3A_641 = tpu.memref_slice %arg4[%dma_wait3A_637, %dma_wait3A_639, %dma_wait3A_640] : memref<8x8x1792xf32, #tpu.memory_space<vmem>> -> memref<1x8x1792xf32, #tpu.memory_space<vmem>>
      %dma_wait3A_642 = tpu.memref_squeeze %dma_wait3A_641 : memref<1x8x1792xf32, #tpu.memory_space<vmem>> -> memref<8x1792xf32, #tpu.memory_space<vmem>>
      %dma_wait3A_643 = arith.constant 0 : i32
      %dma_wait3A_644 = tpu.memref_slice %arg2[%add3A_636, %dma_wait3A_643] : memref<16384x1792xf32, #tpu.memory_space<hbm>> -> memref<8x1792xf32, #tpu.memory_space<hbm>>
      %dma_wait3A_645 = tpu.memref_slice %arg5[%dma_wait3A_638] : memref<8x!tpu.dma_semaphore, #tpu.memory_space<semaphore_mem>> -> memref<1x!tpu.dma_semaphore, #tpu.memory_space<semaphore_mem>>
      %dma_wait3A_646 = tpu.memref_squeeze %dma_wait3A_645 : memref<1x!tpu.dma_semaphore, #tpu.memory_space<semaphore_mem>> -> memref<!tpu.dma_semaphore, #tpu.memory_space<semaphore_mem>>
      %dma_wait3A_647 = arith.constant 0 : i32
      %dma_wait3A_648 = arith.constant 0 : i32
      %dma_wait3A_649 = tpu.memref_slice %arg4[%dma_wait3A_637, %dma_wait3A_647, %dma_wait3A_648] : memref<8x8x1792xf32, #tpu.memory_space<vmem>> -> memref<1x8x1792xf32, #tpu.memory_space<vmem>>
      %dma_wait3A_650 = tpu.memref_squeeze %dma_wait3A_649 : memref<1x8x1792xf32, #tpu.memory_space<vmem>> -> memref<8x1792xf32, #tpu.memory_space<vmem>>
      %dma_wait3A_651 = arith.constant 0 : i32
      %dma_wait3A_652 = tpu.memref_slice %arg2[%add3A_636, %dma_wait3A_651] : memref<16384x1792xf32, #tpu.memory_space<hbm>> -> memref<8x1792xf32, #tpu.memory_space<hbm>>
      tpu.wait_dma2 semaphore(%dma_wait3A_646 : memref<!tpu.dma_semaphore, #tpu.memory_space<semaphore_mem>>) src(%dma_wait3A_652 : memref<8x1792xf32, #tpu.memory_space<hbm>>) dst(%dma_wait3A_650 : memref<8x1792xf32, #tpu.memory_space<vmem>>)
      %jit3A_653 = arith.constant 0 : i32
      %jit3A_654 = arith.constant 63 : i32
      %max3A_655 = arith.maxsi %jit3A_653, %add3A_629 : i32
      %min3A_656 = arith.minsi %jit3A_654, %max3A_655 : i32
      %mul3A_657 = arith.constant 8 : i32
      %mul3A_658 = arith.muli %min3A_656, %mul3A_657 : i32
      %add3A_659 = arith.addi %mul3A_2, %mul3A_658 : i32
      %dma_start3A_660 = arith.constant 7 : i32
      %dma_start3A_661 = arith.constant 7 : i32
      %dma_start3A_662 = arith.constant 0 : i32
      %dma_start3A_663 = arith.constant 0 : i32
      %dma_start3A_664 = tpu.memref_slice %arg4[%dma_start3A_660, %dma_start3A_662, %dma_start3A_663] : memref<8x8x1792xf32, #tpu.memory_space<vmem>> -> memref<1x8x1792xf32, #tpu.memory_space<vmem>>
      %dma_start3A_665 = tpu.memref_squeeze %dma_start3A_664 : memref<1x8x1792xf32, #tpu.memory_space<vmem>> -> memref<8x1792xf32, #tpu.memory_space<vmem>>
      %dma_start3A_666 = arith.constant 0 : i32
      %dma_start3A_667 = tpu.memref_slice %arg3[%add3A_659, %dma_start3A_666] : memref<16384x1792xf32, #tpu.memory_space<hbm>> -> memref<8x1792xf32, #tpu.memory_space<hbm>>
      %dma_start3A_668 = tpu.memref_slice %arg6[%dma_start3A_661] : memref<8x!tpu.dma_semaphore, #tpu.memory_space<semaphore_mem>> -> memref<1x!tpu.dma_semaphore, #tpu.memory_space<semaphore_mem>>
      %dma_start3A_669 = tpu.memref_squeeze %dma_start3A_668 : memref<1x!tpu.dma_semaphore, #tpu.memory_space<semaphore_mem>> -> memref<!tpu.dma_semaphore, #tpu.memory_space<semaphore_mem>>
      %dma_start3A_670 = arith.constant 0 : i32
      %dma_start3A_671 = tpu.memref_slice %arg3[%add3A_659, %dma_start3A_670] : memref<16384x1792xf32, #tpu.memory_space<hbm>> -> memref<8x1792xf32, #tpu.memory_space<hbm>>
      %dma_start3A_672 = arith.constant 0 : i32
      %dma_start3A_673 = arith.constant 0 : i32
      %dma_start3A_674 = tpu.memref_slice %arg4[%dma_start3A_660, %dma_start3A_672, %dma_start3A_673] : memref<8x8x1792xf32, #tpu.memory_space<vmem>> -> memref<1x8x1792xf32, #tpu.memory_space<vmem>>
      %dma_start3A_675 = tpu.memref_squeeze %dma_start3A_674 : memref<1x8x1792xf32, #tpu.memory_space<vmem>> -> memref<8x1792xf32, #tpu.memory_space<vmem>>
      tpu.enqueue_dma source(%dma_start3A_675 : memref<8x1792xf32, #tpu.memory_space<vmem>>) target(%dma_start3A_671 : memref<8x1792xf32, #tpu.memory_space<hbm>>) target_semaphore(%dma_start3A_669 : memref<!tpu.dma_semaphore, #tpu.memory_space<semaphore_mem>>)
      %add3A_676 = arith.constant 2 : i32
      %add3A_677 = arith.addi %add3A_629, %add3A_676 : i32
      %ge3A_678 = arith.constant 8 : i32
      %ge3A_679 = arith.cmpi sge, %add3A_677, %ge3A_678 : i32
      %convert_element_type3A_680 = arith.extui %ge3A_679 : i1 to i32
      %cond3A_681 = arith.constant 0 : i32
      %cond3A_682 = arith.cmpi ne, %convert_element_type3A_680, %cond3A_681 : i32
      scf.if %cond3A_682 {
        %sub3A = arith.constant 8 : i32
        %sub3A_688 = arith.subi %add3A_677, %sub3A : i32
        %jit3A_689 = arith.constant 0 : i32
        %jit3A_690 = arith.constant 63 : i32
        %max3A_691 = arith.maxsi %jit3A_689, %sub3A_688 : i32
        %min3A_692 = arith.minsi %jit3A_690, %max3A_691 : i32
        %mul3A_693 = arith.constant 8 : i32
        %mul3A_694 = arith.muli %min3A_692, %mul3A_693 : i32
        %add3A_695 = arith.addi %mul3A_2, %mul3A_694 : i32
        %dma_wait3A_696 = arith.constant 1 : i32
        %dma_wait3A_697 = arith.constant 1 : i32
        %dma_wait3A_698 = arith.constant 0 : i32
        %dma_wait3A_699 = arith.constant 0 : i32
        %dma_wait3A_700 = tpu.memref_slice %arg4[%dma_wait3A_696, %dma_wait3A_698, %dma_wait3A_699] : memref<8x8x1792xf32, #tpu.memory_space<vmem>> -> memref<1x8x1792xf32, #tpu.memory_space<vmem>>
        %dma_wait3A_701 = tpu.memref_squeeze %dma_wait3A_700 : memref<1x8x1792xf32, #tpu.memory_space<vmem>> -> memref<8x1792xf32, #tpu.memory_space<vmem>>
        %dma_wait3A_702 = arith.constant 0 : i32
        %dma_wait3A_703 = tpu.memref_slice %arg3[%add3A_695, %dma_wait3A_702] : memref<16384x1792xf32, #tpu.memory_space<hbm>> -> memref<8x1792xf32, #tpu.memory_space<hbm>>
        %dma_wait3A_704 = tpu.memref_slice %arg6[%dma_wait3A_697] : memref<8x!tpu.dma_semaphore, #tpu.memory_space<semaphore_mem>> -> memref<1x!tpu.dma_semaphore, #tpu.memory_space<semaphore_mem>>
        %dma_wait3A_705 = tpu.memref_squeeze %dma_wait3A_704 : memref<1x!tpu.dma_semaphore, #tpu.memory_space<semaphore_mem>> -> memref<!tpu.dma_semaphore, #tpu.memory_space<semaphore_mem>>
        %dma_wait3A_706 = arith.constant 0 : i32
        %dma_wait3A_707 = tpu.memref_slice %arg3[%add3A_695, %dma_wait3A_706] : memref<16384x1792xf32, #tpu.memory_space<hbm>> -> memref<8x1792xf32, #tpu.memory_space<hbm>>
        %dma_wait3A_708 = arith.constant 0 : i32
        %dma_wait3A_709 = arith.constant 0 : i32
        %dma_wait3A_710 = tpu.memref_slice %arg4[%dma_wait3A_696, %dma_wait3A_708, %dma_wait3A_709] : memref<8x8x1792xf32, #tpu.memory_space<vmem>> -> memref<1x8x1792xf32, #tpu.memory_space<vmem>>
        %dma_wait3A_711 = tpu.memref_squeeze %dma_wait3A_710 : memref<1x8x1792xf32, #tpu.memory_space<vmem>> -> memref<8x1792xf32, #tpu.memory_space<vmem>>
        tpu.wait_dma2 semaphore(%dma_wait3A_705 : memref<!tpu.dma_semaphore, #tpu.memory_space<semaphore_mem>>) src(%dma_wait3A_711 : memref<8x1792xf32, #tpu.memory_space<vmem>>) dst(%dma_wait3A_707 : memref<8x1792xf32, #tpu.memory_space<hbm>>)
      } else {
      }
      %lt3A_683 = arith.constant 64 : i32
      %lt3A_684 = arith.cmpi slt, %add3A_677, %lt3A_683 : i32
      %convert_element_type3A_685 = arith.extui %lt3A_684 : i1 to i32
      %cond3A_686 = arith.constant 0 : i32
      %cond3A_687 = arith.cmpi ne, %convert_element_type3A_685, %cond3A_686 : i32
      scf.if %cond3A_687 {
        %jit3A_688 = arith.constant 0 : i32
        %jit3A_689 = arith.constant 63 : i32
        %max3A_690 = arith.maxsi %jit3A_688, %add3A_677 : i32
        %min3A_691 = arith.minsi %jit3A_689, %max3A_690 : i32
        %mul3A_692 = arith.constant 8 : i32
        %mul3A_693 = arith.muli %min3A_691, %mul3A_692 : i32
        %add3A_694 = arith.addi %mul3A_2, %mul3A_693 : i32
        %dma_start3A_695 = arith.constant 1 : i32
        %dma_start3A_696 = arith.constant 1 : i32
        %dma_start3A_697 = arith.constant 0 : i32
        %dma_start3A_698 = arith.constant 0 : i32
        %dma_start3A_699 = tpu.memref_slice %arg4[%dma_start3A_695, %dma_start3A_697, %dma_start3A_698] : memref<8x8x1792xf32, #tpu.memory_space<vmem>> -> memref<1x8x1792xf32, #tpu.memory_space<vmem>>
        %dma_start3A_700 = tpu.memref_squeeze %dma_start3A_699 : memref<1x8x1792xf32, #tpu.memory_space<vmem>> -> memref<8x1792xf32, #tpu.memory_space<vmem>>
        %dma_start3A_701 = arith.constant 0 : i32
        %dma_start3A_702 = tpu.memref_slice %arg2[%add3A_694, %dma_start3A_701] : memref<16384x1792xf32, #tpu.memory_space<hbm>> -> memref<8x1792xf32, #tpu.memory_space<hbm>>
        %dma_start3A_703 = tpu.memref_slice %arg5[%dma_start3A_696] : memref<8x!tpu.dma_semaphore, #tpu.memory_space<semaphore_mem>> -> memref<1x!tpu.dma_semaphore, #tpu.memory_space<semaphore_mem>>
        %dma_start3A_704 = tpu.memref_squeeze %dma_start3A_703 : memref<1x!tpu.dma_semaphore, #tpu.memory_space<semaphore_mem>> -> memref<!tpu.dma_semaphore, #tpu.memory_space<semaphore_mem>>
        %dma_start3A_705 = arith.constant 0 : i32
        %dma_start3A_706 = arith.constant 0 : i32
        %dma_start3A_707 = tpu.memref_slice %arg4[%dma_start3A_695, %dma_start3A_705, %dma_start3A_706] : memref<8x8x1792xf32, #tpu.memory_space<vmem>> -> memref<1x8x1792xf32, #tpu.memory_space<vmem>>
        %dma_start3A_708 = tpu.memref_squeeze %dma_start3A_707 : memref<1x8x1792xf32, #tpu.memory_space<vmem>> -> memref<8x1792xf32, #tpu.memory_space<vmem>>
        %dma_start3A_709 = arith.constant 0 : i32
        %dma_start3A_710 = tpu.memref_slice %arg2[%add3A_694, %dma_start3A_709] : memref<16384x1792xf32, #tpu.memory_space<hbm>> -> memref<8x1792xf32, #tpu.memory_space<hbm>>
        tpu.enqueue_dma source(%dma_start3A_710 : memref<8x1792xf32, #tpu.memory_space<hbm>>) target(%dma_start3A_708 : memref<8x1792xf32, #tpu.memory_space<vmem>>) target_semaphore(%dma_start3A_704 : memref<!tpu.dma_semaphore, #tpu.memory_space<semaphore_mem>>)
      } else {
      }
    }
    %scan3A_51 = arith.constant 8 : i32
    %jit3A_52 = arith.constant 58 : i32
    %jit3A_53 = arith.constant 0 : i32
    %jit3A_54 = arith.constant 63 : i32
    %max3A_55 = arith.maxsi %jit3A_53, %jit3A_52 : i32
    %min3A_56 = arith.minsi %jit3A_54, %max3A_55 : i32
    %mul3A_57 = arith.constant 8 : i32
    %mul3A_58 = arith.muli %min3A_56, %mul3A_57 : i32
    %add3A_59 = arith.addi %mul3A_2, %mul3A_58 : i32
    %dma_wait3A = arith.constant 2 : i32
    %dma_wait3A_60 = arith.constant 2 : i32
    %dma_wait3A_61 = arith.constant 0 : i32
    %dma_wait3A_62 = arith.constant 0 : i32
    %dma_wait3A_63 = tpu.memref_slice %arg4[%dma_wait3A, %dma_wait3A_61, %dma_wait3A_62] : memref<8x8x1792xf32, #tpu.memory_space<vmem>> -> memref<1x8x1792xf32, #tpu.memory_space<vmem>>
    %dma_wait3A_64 = tpu.memref_squeeze %dma_wait3A_63 : memref<1x8x1792xf32, #tpu.memory_space<vmem>> -> memref<8x1792xf32, #tpu.memory_space<vmem>>
    %dma_wait3A_65 = arith.constant 0 : i32
    %dma_wait3A_66 = tpu.memref_slice %arg3[%add3A_59, %dma_wait3A_65] : memref<16384x1792xf32, #tpu.memory_space<hbm>> -> memref<8x1792xf32, #tpu.memory_space<hbm>>
    %dma_wait3A_67 = tpu.memref_slice %arg6[%dma_wait3A_60] : memref<8x!tpu.dma_semaphore, #tpu.memory_space<semaphore_mem>> -> memref<1x!tpu.dma_semaphore, #tpu.memory_space<semaphore_mem>>
    %dma_wait3A_68 = tpu.memref_squeeze %dma_wait3A_67 : memref<1x!tpu.dma_semaphore, #tpu.memory_space<semaphore_mem>> -> memref<!tpu.dma_semaphore, #tpu.memory_space<semaphore_mem>>
    %dma_wait3A_69 = arith.constant 0 : i32
    %dma_wait3A_70 = tpu.memref_slice %arg3[%add3A_59, %dma_wait3A_69] : memref<16384x1792xf32, #tpu.memory_space<hbm>> -> memref<8x1792xf32, #tpu.memory_space<hbm>>
    %dma_wait3A_71 = arith.constant 0 : i32
    %dma_wait3A_72 = arith.constant 0 : i32
    %dma_wait3A_73 = tpu.memref_slice %arg4[%dma_wait3A, %dma_wait3A_71, %dma_wait3A_72] : memref<8x8x1792xf32, #tpu.memory_space<vmem>> -> memref<1x8x1792xf32, #tpu.memory_space<vmem>>
    %dma_wait3A_74 = tpu.memref_squeeze %dma_wait3A_73 : memref<1x8x1792xf32, #tpu.memory_space<vmem>> -> memref<8x1792xf32, #tpu.memory_space<vmem>>
    tpu.wait_dma2 semaphore(%dma_wait3A_68 : memref<!tpu.dma_semaphore, #tpu.memory_space<semaphore_mem>>) src(%dma_wait3A_74 : memref<8x1792xf32, #tpu.memory_space<vmem>>) dst(%dma_wait3A_70 : memref<8x1792xf32, #tpu.memory_space<hbm>>)
    %jit3A_75 = arith.constant 59 : i32
    %jit3A_76 = arith.constant 0 : i32
    %jit3A_77 = arith.constant 63 : i32
    %max3A_78 = arith.maxsi %jit3A_76, %jit3A_75 : i32
    %min3A_79 = arith.minsi %jit3A_77, %max3A_78 : i32
    %mul3A_80 = arith.constant 8 : i32
    %mul3A_81 = arith.muli %min3A_79, %mul3A_80 : i32
    %add3A_82 = arith.addi %mul3A_2, %mul3A_81 : i32
    %dma_wait3A_83 = arith.constant 3 : i32
    %dma_wait3A_84 = arith.constant 3 : i32
    %dma_wait3A_85 = arith.constant 0 : i32
    %dma_wait3A_86 = arith.constant 0 : i32
    %dma_wait3A_87 = tpu.memref_slice %arg4[%dma_wait3A_83, %dma_wait3A_85, %dma_wait3A_86] : memref<8x8x1792xf32, #tpu.memory_space<vmem>> -> memref<1x8x1792xf32, #tpu.memory_space<vmem>>
    %dma_wait3A_88 = tpu.memref_squeeze %dma_wait3A_87 : memref<1x8x1792xf32, #tpu.memory_space<vmem>> -> memref<8x1792xf32, #tpu.memory_space<vmem>>
    %dma_wait3A_89 = arith.constant 0 : i32
    %dma_wait3A_90 = tpu.memref_slice %arg3[%add3A_82, %dma_wait3A_89] : memref<16384x1792xf32, #tpu.memory_space<hbm>> -> memref<8x1792xf32, #tpu.memory_space<hbm>>
    %dma_wait3A_91 = tpu.memref_slice %arg6[%dma_wait3A_84] : memref<8x!tpu.dma_semaphore, #tpu.memory_space<semaphore_mem>> -> memref<1x!tpu.dma_semaphore, #tpu.memory_space<semaphore_mem>>
    %dma_wait3A_92 = tpu.memref_squeeze %dma_wait3A_91 : memref<1x!tpu.dma_semaphore, #tpu.memory_space<semaphore_mem>> -> memref<!tpu.dma_semaphore, #tpu.memory_space<semaphore_mem>>
    %dma_wait3A_93 = arith.constant 0 : i32
    %dma_wait3A_94 = tpu.memref_slice %arg3[%add3A_82, %dma_wait3A_93] : memref<16384x1792xf32, #tpu.memory_space<hbm>> -> memref<8x1792xf32, #tpu.memory_space<hbm>>
    %dma_wait3A_95 = arith.constant 0 : i32
    %dma_wait3A_96 = arith.constant 0 : i32
    %dma_wait3A_97 = tpu.memref_slice %arg4[%dma_wait3A_83, %dma_wait3A_95, %dma_wait3A_96] : memref<8x8x1792xf32, #tpu.memory_space<vmem>> -> memref<1x8x1792xf32, #tpu.memory_space<vmem>>
    %dma_wait3A_98 = tpu.memref_squeeze %dma_wait3A_97 : memref<1x8x1792xf32, #tpu.memory_space<vmem>> -> memref<8x1792xf32, #tpu.memory_space<vmem>>
    tpu.wait_dma2 semaphore(%dma_wait3A_92 : memref<!tpu.dma_semaphore, #tpu.memory_space<semaphore_mem>>) src(%dma_wait3A_98 : memref<8x1792xf32, #tpu.memory_space<vmem>>) dst(%dma_wait3A_94 : memref<8x1792xf32, #tpu.memory_space<hbm>>)
    %jit3A_99 = arith.constant 60 : i32
    %jit3A_100 = arith.constant 0 : i32
    %jit3A_101 = arith.constant 63 : i32
    %max3A_102 = arith.maxsi %jit3A_100, %jit3A_99 : i32
    %min3A_103 = arith.minsi %jit3A_101, %max3A_102 : i32
    %mul3A_104 = arith.constant 8 : i32
    %mul3A_105 = arith.muli %min3A_103, %mul3A_104 : i32
    %add3A_106 = arith.addi %mul3A_2, %mul3A_105 : i32
    %dma_wait3A_107 = arith.constant 4 : i32
    %dma_wait3A_108 = arith.constant 4 : i32
    %dma_wait3A_109 = arith.constant 0 : i32
    %dma_wait3A_110 = arith.constant 0 : i32
    %dma_wait3A_111 = tpu.memref_slice %arg4[%dma_wait3A_107, %dma_wait3A_109, %dma_wait3A_110] : memref<8x8x1792xf32, #tpu.memory_space<vmem>> -> memref<1x8x1792xf32, #tpu.memory_space<vmem>>
    %dma_wait3A_112 = tpu.memref_squeeze %dma_wait3A_111 : memref<1x8x1792xf32, #tpu.memory_space<vmem>> -> memref<8x1792xf32, #tpu.memory_space<vmem>>
    %dma_wait3A_113 = arith.constant 0 : i32
    %dma_wait3A_114 = tpu.memref_slice %arg3[%add3A_106, %dma_wait3A_113] : memref<16384x1792xf32, #tpu.memory_space<hbm>> -> memref<8x1792xf32, #tpu.memory_space<hbm>>
    %dma_wait3A_115 = tpu.memref_slice %arg6[%dma_wait3A_108] : memref<8x!tpu.dma_semaphore, #tpu.memory_space<semaphore_mem>> -> memref<1x!tpu.dma_semaphore, #tpu.memory_space<semaphore_mem>>
    %dma_wait3A_116 = tpu.memref_squeeze %dma_wait3A_115 : memref<1x!tpu.dma_semaphore, #tpu.memory_space<semaphore_mem>> -> memref<!tpu.dma_semaphore, #tpu.memory_space<semaphore_mem>>
    %dma_wait3A_117 = arith.constant 0 : i32
    %dma_wait3A_118 = tpu.memref_slice %arg3[%add3A_106, %dma_wait3A_117] : memref<16384x1792xf32, #tpu.memory_space<hbm>> -> memref<8x1792xf32, #tpu.memory_space<hbm>>
    %dma_wait3A_119 = arith.constant 0 : i32
    %dma_wait3A_120 = arith.constant 0 : i32
    %dma_wait3A_121 = tpu.memref_slice %arg4[%dma_wait3A_107, %dma_wait3A_119, %dma_wait3A_120] : memref<8x8x1792xf32, #tpu.memory_space<vmem>> -> memref<1x8x1792xf32, #tpu.memory_space<vmem>>
    %dma_wait3A_122 = tpu.memref_squeeze %dma_wait3A_121 : memref<1x8x1792xf32, #tpu.memory_space<vmem>> -> memref<8x1792xf32, #tpu.memory_space<vmem>>
    tpu.wait_dma2 semaphore(%dma_wait3A_116 : memref<!tpu.dma_semaphore, #tpu.memory_space<semaphore_mem>>) src(%dma_wait3A_122 : memref<8x1792xf32, #tpu.memory_space<vmem>>) dst(%dma_wait3A_118 : memref<8x1792xf32, #tpu.memory_space<hbm>>)
    %jit3A_123 = arith.constant 61 : i32
    %jit3A_124 = arith.constant 0 : i32
    %jit3A_125 = arith.constant 63 : i32
    %max3A_126 = arith.maxsi %jit3A_124, %jit3A_123 : i32
    %min3A_127 = arith.minsi %jit3A_125, %max3A_126 : i32
    %mul3A_128 = arith.constant 8 : i32
    %mul3A_129 = arith.muli %min3A_127, %mul3A_128 : i32
    %add3A_130 = arith.addi %mul3A_2, %mul3A_129 : i32
    %dma_wait3A_131 = arith.constant 5 : i32
    %dma_wait3A_132 = arith.constant 5 : i32
    %dma_wait3A_133 = arith.constant 0 : i32
    %dma_wait3A_134 = arith.constant 0 : i32
    %dma_wait3A_135 = tpu.memref_slice %arg4[%dma_wait3A_131, %dma_wait3A_133, %dma_wait3A_134] : memref<8x8x1792xf32, #tpu.memory_space<vmem>> -> memref<1x8x1792xf32, #tpu.memory_space<vmem>>
    %dma_wait3A_136 = tpu.memref_squeeze %dma_wait3A_135 : memref<1x8x1792xf32, #tpu.memory_space<vmem>> -> memref<8x1792xf32, #tpu.memory_space<vmem>>
    %dma_wait3A_137 = arith.constant 0 : i32
    %dma_wait3A_138 = tpu.memref_slice %arg3[%add3A_130, %dma_wait3A_137] : memref<16384x1792xf32, #tpu.memory_space<hbm>> -> memref<8x1792xf32, #tpu.memory_space<hbm>>
    %dma_wait3A_139 = tpu.memref_slice %arg6[%dma_wait3A_132] : memref<8x!tpu.dma_semaphore, #tpu.memory_space<semaphore_mem>> -> memref<1x!tpu.dma_semaphore, #tpu.memory_space<semaphore_mem>>
    %dma_wait3A_140 = tpu.memref_squeeze %dma_wait3A_139 : memref<1x!tpu.dma_semaphore, #tpu.memory_space<semaphore_mem>> -> memref<!tpu.dma_semaphore, #tpu.memory_space<semaphore_mem>>
    %dma_wait3A_141 = arith.constant 0 : i32
    %dma_wait3A_142 = tpu.memref_slice %arg3[%add3A_130, %dma_wait3A_141] : memref<16384x1792xf32, #tpu.memory_space<hbm>> -> memref<8x1792xf32, #tpu.memory_space<hbm>>
    %dma_wait3A_143 = arith.constant 0 : i32
    %dma_wait3A_144 = arith.constant 0 : i32
    %dma_wait3A_145 = tpu.memref_slice %arg4[%dma_wait3A_131, %dma_wait3A_143, %dma_wait3A_144] : memref<8x8x1792xf32, #tpu.memory_space<vmem>> -> memref<1x8x1792xf32, #tpu.memory_space<vmem>>
    %dma_wait3A_146 = tpu.memref_squeeze %dma_wait3A_145 : memref<1x8x1792xf32, #tpu.memory_space<vmem>> -> memref<8x1792xf32, #tpu.memory_space<vmem>>
    tpu.wait_dma2 semaphore(%dma_wait3A_140 : memref<!tpu.dma_semaphore, #tpu.memory_space<semaphore_mem>>) src(%dma_wait3A_146 : memref<8x1792xf32, #tpu.memory_space<vmem>>) dst(%dma_wait3A_142 : memref<8x1792xf32, #tpu.memory_space<hbm>>)
    %jit3A_147 = arith.constant 62 : i32
    %jit3A_148 = arith.constant 0 : i32
    %jit3A_149 = arith.constant 63 : i32
    %max3A_150 = arith.maxsi %jit3A_148, %jit3A_147 : i32
    %min3A_151 = arith.minsi %jit3A_149, %max3A_150 : i32
    %mul3A_152 = arith.constant 8 : i32
    %mul3A_153 = arith.muli %min3A_151, %mul3A_152 : i32
    %add3A_154 = arith.addi %mul3A_2, %mul3A_153 : i32
    %dma_wait3A_155 = arith.constant 6 : i32
    %dma_wait3A_156 = arith.constant 6 : i32
    %dma_wait3A_157 = arith.constant 0 : i32
    %dma_wait3A_158 = arith.constant 0 : i32
    %dma_wait3A_159 = tpu.memref_slice %arg4[%dma_wait3A_155, %dma_wait3A_157, %dma_wait3A_158] : memref<8x8x1792xf32, #tpu.memory_space<vmem>> -> memref<1x8x1792xf32, #tpu.memory_space<vmem>>
    %dma_wait3A_160 = tpu.memref_squeeze %dma_wait3A_159 : memref<1x8x1792xf32, #tpu.memory_space<vmem>> -> memref<8x1792xf32, #tpu.memory_space<vmem>>
    %dma_wait3A_161 = arith.constant 0 : i32
    %dma_wait3A_162 = tpu.memref_slice %arg3[%add3A_154, %dma_wait3A_161] : memref<16384x1792xf32, #tpu.memory_space<hbm>> -> memref<8x1792xf32, #tpu.memory_space<hbm>>
    %dma_wait3A_163 = tpu.memref_slice %arg6[%dma_wait3A_156] : memref<8x!tpu.dma_semaphore, #tpu.memory_space<semaphore_mem>> -> memref<1x!tpu.dma_semaphore, #tpu.memory_space<semaphore_mem>>
    %dma_wait3A_164 = tpu.memref_squeeze %dma_wait3A_163 : memref<1x!tpu.dma_semaphore, #tpu.memory_space<semaphore_mem>> -> memref<!tpu.dma_semaphore, #tpu.memory_space<semaphore_mem>>
    %dma_wait3A_165 = arith.constant 0 : i32
    %dma_wait3A_166 = tpu.memref_slice %arg3[%add3A_154, %dma_wait3A_165] : memref<16384x1792xf32, #tpu.memory_space<hbm>> -> memref<8x1792xf32, #tpu.memory_space<hbm>>
    %dma_wait3A_167 = arith.constant 0 : i32
    %dma_wait3A_168 = arith.constant 0 : i32
    %dma_wait3A_169 = tpu.memref_slice %arg4[%dma_wait3A_155, %dma_wait3A_167, %dma_wait3A_168] : memref<8x8x1792xf32, #tpu.memory_space<vmem>> -> memref<1x8x1792xf32, #tpu.memory_space<vmem>>
    %dma_wait3A_170 = tpu.memref_squeeze %dma_wait3A_169 : memref<1x8x1792xf32, #tpu.memory_space<vmem>> -> memref<8x1792xf32, #tpu.memory_space<vmem>>
    tpu.wait_dma2 semaphore(%dma_wait3A_164 : memref<!tpu.dma_semaphore, #tpu.memory_space<semaphore_mem>>) src(%dma_wait3A_170 : memref<8x1792xf32, #tpu.memory_space<vmem>>) dst(%dma_wait3A_166 : memref<8x1792xf32, #tpu.memory_space<hbm>>)
    %jit3A_171 = arith.constant 63 : i32
    %jit3A_172 = arith.constant 0 : i32
    %jit3A_173 = arith.constant 63 : i32
    %max3A_174 = arith.maxsi %jit3A_172, %jit3A_171 : i32
    %min3A_175 = arith.minsi %jit3A_173, %max3A_174 : i32
    %mul3A_176 = arith.constant 8 : i32
    %mul3A_177 = arith.muli %min3A_175, %mul3A_176 : i32
    %add3A_178 = arith.addi %mul3A_2, %mul3A_177 : i32
    %dma_wait3A_179 = arith.constant 7 : i32
    %dma_wait3A_180 = arith.constant 7 : i32
    %dma_wait3A_181 = arith.constant 0 : i32
    %dma_wait3A_182 = arith.constant 0 : i32
    %dma_wait3A_183 = tpu.memref_slice %arg4[%dma_wait3A_179, %dma_wait3A_181, %dma_wait3A_182] : memref<8x8x1792xf32, #tpu.memory_space<vmem>> -> memref<1x8x1792xf32, #tpu.memory_space<vmem>>
    %dma_wait3A_184 = tpu.memref_squeeze %dma_wait3A_183 : memref<1x8x1792xf32, #tpu.memory_space<vmem>> -> memref<8x1792xf32, #tpu.memory_space<vmem>>
    %dma_wait3A_185 = arith.constant 0 : i32
    %dma_wait3A_186 = tpu.memref_slice %arg3[%add3A_178, %dma_wait3A_185] : memref<16384x1792xf32, #tpu.memory_space<hbm>> -> memref<8x1792xf32, #tpu.memory_space<hbm>>
    %dma_wait3A_187 = tpu.memref_slice %arg6[%dma_wait3A_180] : memref<8x!tpu.dma_semaphore, #tpu.memory_space<semaphore_mem>> -> memref<1x!tpu.dma_semaphore, #tpu.memory_space<semaphore_mem>>
    %dma_wait3A_188 = tpu.memref_squeeze %dma_wait3A_187 : memref<1x!tpu.dma_semaphore, #tpu.memory_space<semaphore_mem>> -> memref<!tpu.dma_semaphore, #tpu.memory_space<semaphore_mem>>
    %dma_wait3A_189 = arith.constant 0 : i32
    %dma_wait3A_190 = tpu.memref_slice %arg3[%add3A_178, %dma_wait3A_189] : memref<16384x1792xf32, #tpu.memory_space<hbm>> -> memref<8x1792xf32, #tpu.memory_space<hbm>>
    %dma_wait3A_191 = arith.constant 0 : i32
    %dma_wait3A_192 = arith.constant 0 : i32
    %dma_wait3A_193 = tpu.memref_slice %arg4[%dma_wait3A_179, %dma_wait3A_191, %dma_wait3A_192] : memref<8x8x1792xf32, #tpu.memory_space<vmem>> -> memref<1x8x1792xf32, #tpu.memory_space<vmem>>
    %dma_wait3A_194 = tpu.memref_squeeze %dma_wait3A_193 : memref<1x8x1792xf32, #tpu.memory_space<vmem>> -> memref<8x1792xf32, #tpu.memory_space<vmem>>
    tpu.wait_dma2 semaphore(%dma_wait3A_188 : memref<!tpu.dma_semaphore, #tpu.memory_space<semaphore_mem>>) src(%dma_wait3A_194 : memref<8x1792xf32, #tpu.memory_space<vmem>>) dst(%dma_wait3A_190 : memref<8x1792xf32, #tpu.memory_space<hbm>>)
    return
  }
}

</mosaic_0001>

<sc_bundles>
// kernel: kernel.3.cloned.1.call-start
scs
__scs_entry_jumppad:
0x0: {  	(pc) =	sbr.rel $0x88, $3  }
0x1: {  	(tag) =	ssettag $0x0;
	lr =	simm.s32 $0x1  }
0x2: {  	[smem:$0x3FA0] =	sst lr;
	_ =	strace $0xD0000000  }
0x3: {  	_ = 	snop  }
0x4: {  	_ = 	snop  }
0x5: {  	_ = 	snop  }
0x6: {  	_ = 	snop  }
0x7: {  	_ = 	snop  }
__scs_overlays_trampoline_lowered:
0x8: {  	[smem:$0x3FAF] =	sst s0  }
0x9: {  	[smem:$0x3FB0] =	sst s1  }
0xa: {  	[smem:$0x3FB1] =	sst s2  }
0xb: {  	[smem:$0x3FB2] =	sst s3  }
0xc: {  	[smem:$0x3FB3] =	sst s4  }
0xd: {  	[smem:$0x3FB4] =	sst s5  }
0xe: {  	[smem:$0x3FB5] =	sst s6  }
0xf: {  	[smem:$0x3FB6] =	sst s7  }
0x10: {  	[smem:$0x3FB7] =	sst s8  }
0x11: {  	[smem:$0x3FB8] =	sst s9;
	s0 =	simm.s32 @!p0 $0x0  }
0x12: {  	s1 =	sld [smem:$0x3F9E];
	s0 =	simm.s32 @p0 $0x1  }
0x13: {  	[smem:$0x3FB9] =	sst s0;
	s0 =	simm.s32 @!p1 $0x0  }
0x14: {  	s2 =	sld [smem:$0x3F9D];
	s0 =	simm.s32 @p1 $0x1  }
0x15: {  	[smem:$0x3FBA] =	sst s0;
	s0 =	simm.s32 @!p2 $0x0  }
0x16: {  	s3 =	sld [smem:$0x3FDB];
	s0 =	simm.s32 @p2 $0x1  }
0x17: {  	s4 =	simm.s32 $0x1BF5;
	[smem:$0x3FBC] =	sst s0  }
0x18: {  	s0 =	sld [smem:$0x3F9F];
	_ =	swait.ge [sflag:s4], $0x0  }
0x19: {  	s7 =	sld [smem:$0x3FA0]  }
0x1a: {  	s8 =	sadd.s32 $0xFFFFE003, lr  }
0x1b: {  	s9 =	sadd.s32 $0xFFFFFEF7, lr;
	s5 =	simm.s32 $0xFFFFFFFF;
	p2 =	slt.u32 s8, $0xFFFFF086  }
0x1c: {  	p1 =	slt.u32 s9, $0xF7A;
	s5 =	simm.s32 @!p2 $0x0  }
0x1d: {  	s5 =	simm.s32 @p1 $0x1;
	p0 =	seq.s32 s7, s2  }
0x1e: {  	s7 =	smul.u32 @!p0 $0xF7A, s2;
	p2 =	seq.s32 @!p0 s5, $0x0  }
0x1f: {  	s9 =	smul.u32 $0xF7A, s1;
	s8 =	simm.s32 @!p0 $0x1BF5;
	p2 =	por !p2, p0  }
0x20: {  	[sflag:s8] =	ssyncset.s32 @!p0 $0xFFFFF086;
	s6 =	sadd.s32 @!p0 s3, s7;
	s7 =	simm.s32 @!p0 $0x108  }
0x21: {  	s3 =	sadd.s32 s3, s9;
	s6 =	sadd.s32 @!p0 $0x88, s6;
	s7 =	simm.s32 @p2 $0x1082  }
0x22: {  	[simem:s7], [sflag:s8] =	dma.local @!p0 [hbm:s6], $0xF7A  }
0x23: {  	s9 =	sor.u32 $0xD0000000, s2;
	s6 =	simm.s32 $0x108;
	_ =	swait.ge @!p0 [sflag:s8], $0x0  }
0x24: {  	s3 =	sadd.s32 $0x88, s3;
	s6 =	simm.s32 @!p1 $0x1082;
	[sflag:s4] =	ssyncset.s32 $0xFFFFF086  }
0x25: {  	[simem:s6], [sflag:s4] =	dma.local [hbm:s3], $0xF7A  }
0x26: {  	[smem:$0x3FA0] =	sst s1;
	(tag) =	ssettag s2;
	_ =	strace s9  }
0x27: {  	s1 =	sld [smem:$0x3FB0]  }
0x28: {  	s2 =	sld [smem:$0x3FB1]  }
0x29: {  	s4 =	sld [smem:$0x3FB3]  }
0x2a: {  	p0 =	seq.s32 s5, $0x0;
	s5 =	sld [smem:$0x3FB4]  }
0x2b: {  	s6 =	sld [smem:$0x3FB5]  }
0x2c: {  	s7 =	sld [smem:$0x3FB6]  }
0x2d: {  	s3 =	simm.s32 $0x108;
	s8 =	sld [smem:$0x3FB7]  }
0x2e: {  	s3 =	simm.s32 @!p0 $0x1082;
	s9 =	sld [smem:$0x3FB8]  }
0x2f: {  	lr =	sadd.s32 s0, s3;
	s0 =	sld [smem:$0x3FAF]  }
0x30: {  	s3 =	sld [smem:$0x3FB2]  }
0x31: {  	[smem:$0x3FBB] =	sst s10  }
0x32: {  	s10 =	sld [smem:$0x3FB9];
	_ =	sdelay $0x3  }
0x33: {  	p0 =	seq.s32 s10, $0x1;
	s10 =	sld [smem:$0x3FBB];
	_ =	sdelay $0x3  }
0x34: {  	[smem:$0x3FBB] =	sst s10  }
0x35: {  	s10 =	sld [smem:$0x3FBA];
	_ =	sdelay $0x3  }
0x36: {  	p1 =	seq.s32 s10, $0x1;
	s10 =	sld [smem:$0x3FBB];
	_ =	sdelay $0x3  }
0x37: {  	[smem:$0x3FBB] =	sst s10  }
0x38: {  	s10 =	sld [smem:$0x3FBC]  }
0x39: {  	_ = 	snop;
	(pc) =	sbr.ind lr, $3  }
0x3a: {  	_ = 	snop  }
0x3b: {  	_ = 	snop  }
0x3c: {  	p2 =	seq.s32 s10, $0x1;
	s10 =	sld [smem:$0x3FBB]  }
0x3d: {  	_ =	shalt  }
0x3e: {  	_ =	shalt  }
0x3f: {  	_ =	shalt  }
0x40: {  	_ =	shalt  }
0x41: {  	_ =	shalt  }
0x42: {  	_ =	shalt  }
0x43: {  	_ =	shalt  }
0x44: {  	_ =	shalt  }
0x45: {  	_ =	shalt  }
0x46: {  	_ =	shalt  }
0x47: {  	_ =	shalt  }
0x48: {  	_ =	shalt  }
0x49: {  	_ =	shalt  }
0x4a: {  	_ =	shalt  }
0x4b: {  	_ =	shalt  }
0x4c: {  	_ =	shalt  }
0x4d: {  	_ =	shalt  }
0x4e: {  	_ =	shalt  }
0x4f: {  	_ =	shalt  }
0x50: {  	_ =	shalt  }
0x51: {  	_ =	shalt  }
0x52: {  	_ =	shalt  }
0x53: {  	_ =	shalt  }
0x54: {  	_ =	shalt  }
0x55: {  	_ =	shalt  }
0x56: {  	_ =	shalt  }
0x57: {  	_ =	shalt  }
0x58: {  	_ =	shalt  }
0x59: {  	_ =	shalt  }
0x5a: {  	_ =	shalt  }
0x5b: {  	_ =	shalt  }
0x5c: {  	_ =	shalt  }
0x5d: {  	_ =	shalt  }
0x5e: {  	_ =	shalt  }
0x5f: {  	_ =	shalt  }
0x60: {  	_ =	shalt  }
0x61: {  	_ =	shalt  }
0x62: {  	_ =	shalt  }
0x63: {  	_ =	shalt  }
0x64: {  	_ =	shalt  }
0x65: {  	_ =	shalt  }
0x66: {  	_ =	shalt  }
0x67: {  	_ =	shalt  }
0x68: {  	_ =	shalt  }
0x69: {  	_ =	shalt  }
0x6a: {  	_ =	shalt  }
0x6b: {  	_ =	shalt  }
0x6c: {  	_ =	shalt  }
0x6d: {  	_ =	shalt  }
0x6e: {  	_ =	shalt  }
0x6f: {  	_ =	shalt  }
0x70: {  	_ =	shalt  }
0x71: {  	_ =	shalt  }
0x72: {  	_ =	shalt  }
0x73: {  	_ =	shalt  }
0x74: {  	_ =	shalt  }
0x75: {  	_ =	shalt  }
0x76: {  	_ =	shalt  }
0x77: {  	_ =	shalt  }
0x78: {  	_ =	shalt  }
0x79: {  	_ =	shalt  }
0x7a: {  	_ =	shalt  }
0x7b: {  	_ =	shalt  }
0x7c: {  	_ =	shalt  }
0x7d: {  	_ =	shalt  }
0x7e: {  	_ =	shalt  }
0x7f: {  	_ =	shalt  }
0x80: {  	_ =	shalt  }
0x81: {  	_ =	shalt  }
0x82: {  	_ =	shalt  }
0x83: {  	_ =	shalt  }
0x84: {  	_ =	shalt  }
0x85: {  	_ =	shalt  }
0x86: {  	_ =	shalt  }
0x87: {  	_ =	shalt  }
.Lfunc_end0:
.L_simem_size_0:
called_computation_lowered:
.L_overlay_start_0:
0x88: {  	s2 =	sld [smem:$0x3FD9]  }
0x89: {  	s3 =	sld [smem:$0x3FFE];
	_ =	sdelay $0x1  }
0x8a: {  	s1 =	srdreg.scid  }
0x8b: {  	s0 =	sand.u32 $0x1, s1  }
0x8c: {  	s18 =	sshll.u32 s0, $0xA;
	s2 =	sadd.s32 s3, s2  }
0x8d: {  	s2 =	sadd.s32 s2, s18  }
0x8e: {  	[smem:$0x3FC7] =	sst s2  }
0x8f: {  	_ = 	snop  }
0x90: {  	s2 =	sld [smem:$0x3FC9]  }
0x91: {  	s19 =	sld [smem:$0x3FD0];
	(tm) =	ssettm $0x1  }
0x92: {  	s4 =	sld [smem:$0x3FFB];
	_ =	sdelay $0x3  }
0x93: {  	_ =	strace s4  }
0x94: {  	s4 =	sld [smem:$0x3FFC];
	_ =	sdelay $0x3  }
0x95: {  	_ =	strace s4  }
0x96: {  	s4 =	sld [smem:$0x3FFD];
	_ =	sdelay $0x3  }
0x97: {  	_ =	strace s4  }
0x98: {  	_ =	strace $0x8FFFFFFF  }
0x99: {  	s20 =	sld [smem:$0x3FDB];
	_ =	sdelay $0x1  }
0x9a: {  	s5 =	simm.s32 $_scs_section_size  }
0x9b: {  	s6 =	simm.s32 $_size__tile_overlayer_lowered;
	s7 =	simm.s32 $_tile_overlayer_lowered  }
0x9c: {  	s23 =	simm.s32 $0x1BFF;
	s22 =	sshll.u32 s7, $0x1;
	s4 =	sadd.s32 s5, s20  }
0x9d: {  	s8 =	simm.s32 $0x0;
	s21 =	sshll.u32 s6, $0x1;
	s6 =	sadd.s32 s22, s4  }
0x9e: {  	[timem:s8], [sflag:s23] =	dma.local [hbm:s6], s21  }
0x9f: {  	_ =	swait.ge [sflag:s23], s21  }
0xa0: {  	s5 =	ssub.s32 $0x0, s21;
	[sflag:s23] =	ssyncset.done $0x0  }
0xa1: {  	[sflag:s23] =	ssyncadd.s32 s5;
	_ =	sdelay $0x1  }
0xa2: {  	s24 =	simm.s32 $0x1B8B  }
0xa3: {  	_ =	swait.ge [sflag:s24], $0x1  }
0xa4: {  	[sflag:s24] =	ssyncset.done $0x0  }
0xa5: {  	s25 =	simm.s32 $0x1B8E;
	[sflag:s24] =	ssyncadd.s32 $0xFFFFFFFF  }
0xa6: {  	s26 =	simm.s32 $execute0_lowered;
	[smem:$0x3FD2] =	sst s25  }
0xa7: {  	s5 =	sshll.u32 s26, $0x1;
	_ =	strace $0x80000046;
	[dreg:$0x1] =	wrdreg $0xFFFFFFFF  }
0xa8: {  	s28 =	simm.s32 $_size_execute0_lowered;
	s4 =	sadd.s32 s4, s5;
	[dreg:$0x0] =	wrdreg $0x0  }
0xa9: {  	s5 =	sshll.u32 s28, $0x1;
	[dreg:$0x2] =	wrdreg s4  }
0xaa: {  	[dreg:$0x3] =	wrdreg s5  }
0xab: {  	[dreg:$0x4] =	wrdreg $0xC0  }
0xac: {  	_ =	task [dreg:s8], $0x5FFFF  }
0xad: {  	[dreg:$0x1] =	wrdreg $0xFFFFFFFF  }
0xae: {  	[dreg:$0x0] =	wrdreg $0x60  }
0xaf: {  	[dreg:$0x2] =	wrdreg s2  }
0xb0: {  	[dreg:$0x3] =	wrdreg s19  }
0xb1: {  	[dreg:$0x4] =	wrdreg $0x9  }
0xb2: {  	_ =	task.clear_ibuf [dreg:s8], $0x5FFFF;
	_ =	strace $0x90000046  }
0xb3: {  	s29 =	simm.s32 $0x9;
	_ =	strace $0x80000048  }
0xb4: {  	_ =	swait.ge [sflag:s29], $0x1  }
0xb5: {  	[sflag:s29] =	ssyncadd.s32 $0xFFFFFFFF  }
0xb6: {  	_ =	strace $0x90000048  }
0xb7: {  	_ =	sfence  }
0xb8: {  	s30 =	sld [smem:$0x0];
	_ =	sdelay $0x2  }
0xb9: {  	s31 =	sshll.u32 s1, $0xD;
	s1 =	sshrl.u32 s1, $0x2  }
0xba: {  	s3 =	sand.u32 $0x4000, s31;
	s1 =	sadd.s32 s1, s30  }
0xbb: {  	s0 =	sor.u32 s3, s0;
	s1 =	sshll.u32 s1, $0x11  }
0xbc: {  	s0 =	sor.u32 s1, s0  }
0xbd: {  	s0 =	sadd.s32 $0x8F2B, s0  }
0xbe: {  	[sflag:s0] =	ssyncadd.remote.s32 $0x1  }
0xbf: {  	_ =	sfence.sel $0xFFFF  }
0xc0: {  	[dreg:$0x0] =	wrdreg $0xFFFFFFFF;
	(pc) =	sbr.abs _section_cstart, $3  }
0xc1: {  	[dreg:$0x1] =	wrdreg $0xFFFFFFFF  }
0xc2: {  	_ =	task.clear_ibuf [dreg:s8], $0x2FFFF;
	_ =	strace $0x9FFFFFFF  }
0xc3: {  	(tm) =	ssettm $0x7FFFFFFF  }
tec
execute0_lowered:
.L_overlay_start_1:
0x0: {  	(tag) =	ssettag $0x1  }
0x1: {  	s0 =	srdreg.scid;
	s2 =	rddreg [dreg:$0x0]  }
0x2: {  	s8 =	stileid.u32;
	s1 =	rddreg [dreg:$0x1];
	s3 =	simm.s32 $0x0  }
0x3: {  	s11 =	simm.s32 $0x3800;
	s12 =	simm.s32 $0x1;
	s13 =	simm.s32 $0x7000  }
0x4: {  	s14 =	simm.s32 $0x2;
	s15 =	simm.s32 $0xA800;
	s16 =	simm.s32 $0x3  }
0x5: {  	s17 =	simm.s32 $0xE000;
	s18 =	simm.s32 $0x4;
	s19 =	simm.s32 $0x11800  }
0x6: {  	s20 =	simm.s32 $0x5;
	s21 =	simm.s32 $0x15000;
	s22 =	simm.s32 $0x6  }
0x7: {  	s23 =	simm.s32 $0x18800;
	s24 =	simm.s32 $0x7;
	s25 =	simm.s32 $0x9  }
0x8: {  	s26 =	simm.s32 $0x8;
	s28 =	simm.s32 $0xA;
	s0 =	sand.u32 $0x1, s0  }
0x9: {  	s4 =	sshll.u32 s8, $0x7;
	[smem:$0x7FF] =	sst s3;
	s8 =	smul.u32 $0x38000, s8  }
0xa: {  	s5 =	sshll.u32 s0, $0x6;
	s30 =	ssub.s32 $0x2, s0;
	_ =	strace $0x80000047  }
0xb: {  	s0 =	smul.u32 $0x1C000, s0;
	s4 =	sor.u32 s5, s4;
	s7 =	sshrl.u32 s30, $0x1  }
0xc: {  	s31 =	sadd.s32 s8, s2;
	s1 =	sadd.s32 s8, s1;
	s6 =	smul.u32 $0x700, s4  }
.Ltmp0:
0xd: {  	s5 =	ssub.s32 s30, s7;
	s7 =	sor.u32 $0x9, s4;
	(pc) =	sbr.rel .LBB2_1-.Ltmp0, $4  }
0xe: {  	s9 =	sadd.s32 s0, s31;
	s10 =	sadd.s32 s0, s1;
	s5 =	smax.u32 s5, $0x1  }
0xf: {  	s0 =	simm.s32 $0xF;
	s6 =	sadd.s32 s2, s6;
	[dreg:$0x5] =	wrdreg s5  }
0x10: {  	s5 =	simm.s32 $0x10;
	[dreg:$0x3] =	wrdreg s6;
	s6 =	sadd.s32 $0x700, s6  }
0x11: {  	[dreg:$0x4] =	wrdreg s6;
	s6 =	sor.u32 $0x8, s4;
	s4 =	simm.s32 $0x0  }
.LBB2_4:
0x12: {  	s1 =	simm.s32 $0xB  }
0x13: {  	_ =	swait.ge [sflag:s1], $0x3800  }
0x14: {  	[sflag:s1] =	ssyncset.done $0x0  }
0x15: {  	s8 =	simm.s32 $0xC;
	[sflag:s1] =	ssyncadd.s32 $0xFFFFC800  }
0x16: {  	_ =	swait.ge [sflag:s8], $0x3800  }
0x17: {  	[sflag:s8] =	ssyncset.done $0x0  }
0x18: {  	s29 =	simm.s32 $0xD;
	[sflag:s8] =	ssyncadd.s32 $0xFFFFC800  }
0x19: {  	_ =	swait.ge [sflag:s29], $0x3800  }
0x1a: {  	[sflag:s29] =	ssyncset.done $0x0  }
0x1b: {  	s30 =	simm.s32 $0xE;
	[sflag:s29] =	ssyncadd.s32 $0xFFFFC800  }
0x1c: {  	_ =	swait.ge [sflag:s30], $0x3800  }
0x1d: {  	[sflag:s30] =	ssyncset.done $0x0  }
0x1e: {  	[sflag:s30] =	ssyncadd.s32 $0xFFFFC800  }
0x1f: {  	_ =	swait.ge [sflag:s0], $0x3800  }
0x20: {  	[sflag:s0] =	ssyncset.done $0x0  }
0x21: {  	[sflag:s0] =	ssyncadd.s32 $0xFFFFC800  }
0x22: {  	_ =	swait.ge [sflag:s5], $0x3800  }
0x23: {  	s4 =	sadd.s32 $0x1, s4;
	s31 =	rddreg [dreg:$0x5]  }
0x24: {  	p0 =	sne.s32 s4, s31  }
.Ltmp1:
0x25: {  	_ = 	snop;
	(pc) =	sbr.rel @!p0 .LBB2_5-.Ltmp1, $3  }
0x26: {  	_ =	sdelay $0x1  }
0x27: {  	[sflag:s5] =	ssyncset.done $0x0  }
0x28: {  	[sflag:s5] =	ssyncadd.s32 $0xFFFFC800  }
.LBB2_1:
0x29: {  	s1 =	rddreg [dreg:$0x3]  }
0x2a: {  	[tilespmem:s3], [sflag:$0x1] =	stream.linear.gather [hbm4b:s1+s3], $0x3800, $0x38;
	[tilespmem:$0x1C000] =	vst v63  }
0x2b: {  	s31 =	rddreg [dreg:$0x4];
	s8 =	simm.s32 $0x0;
	s29 =	simm.s32 $0x0  }
0x2c: {  	[tilespmem:s11], [sflag:$0x2] =	stream.linear.gather [hbm4b:s31+s3], $0x3800, $0x38;
	[tilespmem:$0x1C000] =	vst v63  }
.LBB2_2:
0x2d: {  	_ =	swait.ge [sflag:s12], $0x3800  }
0x2e: {  	p0 =	seq.s32 s29, $0x0;
	[sflag:s12] =	ssyncset.done $0x0  }
0x2f: {  	s30 =	sadd.s32 s29, s10;
	s31 =	simm.s32 @!p0 $0xB;
	[sflag:s12] =	ssyncadd.s32 $0xFFFFC800  }
0x30: {  	[hbm4b:s30+s3] =	stream.linear.scatter [tilespmem:s3], [sflag:$0x9], $0x3800, $0x38;
	[tilespmem:$0x1C000] =	vst v63  }
0x31: {  	_ =	swait.ge @!p0 [sflag:s31], $0x3800  }
0x32: {  	s1 =	sadd.s32 s29, s9;
	[sflag:s31] =	ssyncset.done @!p0 $0x0  }
0x33: {  	[sflag:s31] =	ssyncadd.s32 @!p0 $0xFFFFC800;
	s31 =	sadd.s32 $0xE00, s1  }
0x34: {  	[tilespmem:s13], [sflag:$0x3] =	stream.linear.gather [hbm4b:s31+s3], $0x3800, $0x38;
	[tilespmem:$0x1C000] =	vst v63  }
0x35: {  	_ =	swait.ge [sflag:s14], $0x3800  }
0x36: {  	[sflag:s14] =	ssyncset.done $0x0  }
0x37: {  	s31 =	sadd.s32 $0x700, s30;
	[sflag:s14] =	ssyncadd.s32 $0xFFFFC800  }
0x38: {  	[hbm4b:s31+s3] =	stream.linear.scatter [tilespmem:s11], [sflag:$0xA], $0x3800, $0x38;
	[tilespmem:$0x1C000] =	vst v63  }
0x39: {  	s31 =	simm.s32 @!p0 $0xC  }
0x3a: {  	_ =	swait.ge @!p0 [sflag:s31], $0x3800  }
0x3b: {  	[sflag:s31] =	ssyncset.done @!p0 $0x0  }
0x3c: {  	[sflag:s31] =	ssyncadd.s32 @!p0 $0xFFFFC800;
	s31 =	sadd.s32 $0x1500, s1  }
0x3d: {  	[tilespmem:s15], [sflag:$0x4] =	stream.linear.gather [hbm4b:s31+s3], $0x3800, $0x38;
	[tilespmem:$0x1C000] =	vst v63  }
0x3e: {  	_ =	swait.ge [sflag:s16], $0x3800  }
0x3f: {  	[sflag:s16] =	ssyncset.done $0x0  }
0x40: {  	s31 =	sadd.s32 $0xE00, s30;
	[sflag:s16] =	ssyncadd.s32 $0xFFFFC800  }
0x41: {  	[hbm4b:s31+s3] =	stream.linear.scatter [tilespmem:s13], [sflag:$0xB], $0x3800, $0x38;
	[tilespmem:$0x1C000] =	vst v63  }
0x42: {  	s31 =	simm.s32 @!p0 $0xD  }
0x43: {  	_ =	swait.ge @!p0 [sflag:s31], $0x3800  }
0x44: {  	[sflag:s31] =	ssyncset.done @!p0 $0x0  }
0x45: {  	[sflag:s31] =	ssyncadd.s32 @!p0 $0xFFFFC800;
	s31 =	sadd.s32 $0x1C00, s1  }
0x46: {  	[tilespmem:s17], [sflag:$0x5] =	stream.linear.gather [hbm4b:s31+s3], $0x3800, $0x38;
	[tilespmem:$0x1C000] =	vst v63  }
0x47: {  	_ =	swait.ge [sflag:s18], $0x3800  }
0x48: {  	[sflag:s18] =	ssyncset.done $0x0  }
0x49: {  	s31 =	sadd.s32 $0x1500, s30;
	[sflag:s18] =	ssyncadd.s32 $0xFFFFC800  }
0x4a: {  	[hbm4b:s31+s3] =	stream.linear.scatter [tilespmem:s15], [sflag:$0xC], $0x3800, $0x38;
	[tilespmem:$0x1C000] =	vst v63  }
0x4b: {  	s31 =	simm.s32 @!p0 $0xE  }
0x4c: {  	_ =	swait.ge @!p0 [sflag:s31], $0x3800  }
0x4d: {  	[sflag:s31] =	ssyncset.done @!p0 $0x0  }
0x4e: {  	[sflag:s31] =	ssyncadd.s32 @!p0 $0xFFFFC800;
	s31 =	sadd.s32 $0x2300, s1  }
0x4f: {  	[tilespmem:s19], [sflag:$0x6] =	stream.linear.gather [hbm4b:s31+s3], $0x3800, $0x38;
	[tilespmem:$0x1C000] =	vst v63  }
0x50: {  	_ =	swait.ge [sflag:s20], $0x3800  }
0x51: {  	[sflag:s20] =	ssyncset.done $0x0  }
0x52: {  	s31 =	sadd.s32 $0x1C00, s30;
	[sflag:s20] =	ssyncadd.s32 $0xFFFFC800  }
0x53: {  	[hbm4b:s31+s3] =	stream.linear.scatter [tilespmem:s17], [sflag:$0xD], $0x3800, $0x38;
	[tilespmem:$0x1C000] =	vst v63  }
0x54: {  	s31 =	simm.s32 @!p0 $0xF  }
0x55: {  	_ =	swait.ge @!p0 [sflag:s31], $0x3800  }
0x56: {  	[sflag:s31] =	ssyncset.done @!p0 $0x0  }
0x57: {  	[sflag:s31] =	ssyncadd.s32 @!p0 $0xFFFFC800;
	s31 =	sadd.s32 $0x2A00, s1  }
0x58: {  	[tilespmem:s21], [sflag:$0x7] =	stream.linear.gather [hbm4b:s31+s3], $0x3800, $0x38;
	[tilespmem:$0x1C000] =	vst v63  }
0x59: {  	_ =	swait.ge [sflag:s22], $0x3800  }
0x5a: {  	[sflag:s22] =	ssyncset.done $0x0  }
0x5b: {  	s31 =	sadd.s32 $0x2300, s30;
	[sflag:s22] =	ssyncadd.s32 $0xFFFFC800  }
0x5c: {  	[hbm4b:s31+s3] =	stream.linear.scatter [tilespmem:s19], [sflag:$0xE], $0x3800, $0x38;
	[tilespmem:$0x1C000] =	vst v63  }
0x5d: {  	s31 =	simm.s32 @!p0 $0x10  }
0x5e: {  	_ =	swait.ge @!p0 [sflag:s31], $0x3800  }
0x5f: {  	[sflag:s31] =	ssyncset.done @!p0 $0x0  }
0x60: {  	s1 =	sadd.s32 $0x3100, s1;
	[sflag:s31] =	ssyncadd.s32 @!p0 $0xFFFFC800  }
0x61: {  	[tilespmem:s23], [sflag:$0x8] =	stream.linear.gather [hbm4b:s1+s3], $0x3800, $0x38;
	[tilespmem:$0x1C000] =	vst v63  }
0x62: {  	p0 =	seq.s32 s29, $0x18800;
	_ =	swait.ge [sflag:s24], $0x3800  }
0x63: {  	s1 =	smin.u32 @!p0 s8, $0x37;
	[sflag:s24] =	ssyncset.done $0x0  }
0x64: {  	s31 =	sadd.s32 $0x2A00, s30;
	s1 =	sadd.s32 @!p0 s6, s1;
	[sflag:s24] =	ssyncadd.s32 $0xFFFFC800  }
0x65: {  	[hbm4b:s31+s3] =	stream.linear.scatter [tilespmem:s21], [sflag:$0xF], $0x3800, $0x38;
	[tilespmem:$0x1C000] =	vst v63  }
0x66: {  	s1 =	smul.u32 @!p0 $0x700, s1;
	_ =	swait.ge [sflag:s25], $0x3800  }
0x67: {  	[sflag:s25] =	ssyncset.done $0x0  }
0x68: {  	s1 =	sadd.s32 @!p0 s2, s1;
	s31 =	simm.s32 @!p0 $0x0;
	[sflag:s25] =	ssyncadd.s32 $0xFFFFC800  }
0x69: {  	[tilespmem:s31], [sflag:$0x1] =	stream.linear.gather @!p0 [hbm4b:s1+s31], $0x3800, $0x38;
	[tilespmem:$0x1C000] =	vst v63  }
0x6a: {  	_ =	swait.ge [sflag:s26], $0x3800  }
0x6b: {  	[sflag:s26] =	ssyncset.done $0x0  }
.Ltmp2:
0x6c: {  	s31 =	sadd.s32 $0x3100, s30;
	[sflag:s26] =	ssyncadd.s32 $0xFFFFC800;
	(pc) =	sbr.rel @p0 .LBB2_4-.Ltmp2, $4  }
0x6d: {  	[hbm4b:s31+s3] =	stream.linear.scatter [tilespmem:s23], [sflag:$0x10], $0x3800, $0x38;
	[tilespmem:$0x1C000] =	vst v63  }
0x6e: {  	_ =	swait.ge [sflag:s28], $0x3800  }
0x6f: {  	[sflag:s28] =	ssyncset.done $0x0  }
0x70: {  	[sflag:s28] =	ssyncadd.s32 $0xFFFFC800  }
0x71: {  	s1 =	smin.u32 s8, $0x36  }
.Ltmp3:
0x72: {  	s1 =	sadd.s32 s7, s1;
	(pc) =	sbr.rel .LBB2_2-.Ltmp3, $3  }
0x73: {  	s1 =	smul.u32 $0x700, s1;
	_ =	sdelay $0x1  }
0x74: {  	s29 =	sadd.s32 $0x3800, s29;
	s8 =	sadd.s32 $0x8, s8;
	s1 =	sadd.s32 s2, s1  }
0x75: {  	[tilespmem:s11], [sflag:$0x2] =	stream.linear.gather [hbm4b:s1+s3], $0x3800, $0x38;
	[tilespmem:$0x1C000] =	vst v63  }
.LBB2_5:
0x76: {  	_ =	sfence.sel $0x180000  }
0x77: {  	[bflag:$0x0] =	sbarrier.arrive $0xFFFF  }
0x78: {  	_ =	strace $0x90000047  }
0x79: {  	s0 =	stileid.u32;
	[bflag:$0x2] =	sbarrier.arrive $0xFFFF  }
0x7a: {  	p0 =	sne.s32 s0, $0x0;
	s0 =	rddreg [dreg:$0x2]  }
0x7b: {  	s0 =	sadd.s32 @!p0 $0x100000, s0  }
0x7c: {  	[sflag:s0] =	ssyncadd.tile.s32 @!p0 $0x1;
	_ =	shalt  }
.Lfunc_end2:
_tile_overlayer_lowered:
.L_overlay_start_2:
0x7d: {  	(tag) =	ssettag $0x2  }
0x7e: {  	s0 =	rddreg [dreg:$0x0];
	s2 =	stileid.u32  }
0x7f: {  	s1 =	rddreg [dreg:$0x1];
	p0 =	sne.s32 s2, $0x0  }
0x80: {  	s3 =	rddreg [dreg:$0x2];
	[bflag:$0x3] =	sbarrier.arrive $0xFFFF;
	s2 =	simm.s32 @!p0 $0x1C11  }
0x81: {  	[timem:s3], [sflag:s2] =	dma.local @!p0 [hbm:s0], s1  }
0x82: {  	s0 =	simm.s32 @!p0 $0x11  }
0x83: {  	_ =	swait.ge @!p0 [sflag:s0], s1  }
0x84: {  	s1 =	ssub.s32 @!p0 $0x0, s1;
	[sflag:s0] =	ssyncset.done @!p0 $0x0  }
0x85: {  	[sflag:s0] =	ssyncadd.s32 @!p0 s1  }
0x86: {  	[bflag:$0x3] =	sbarrier.arrive $0xFFFF  }
0x87: {  	_ =	shalt  }

</sc_bundles>
